<compile_context>
chip_gen: v7x
topology: tpu7x:2x2x1
jax: 0.10.2.dev20260603
libtpu: 0.0.44.dev20260713+nightly
codegen_flags: <defaults>
</compile_context>

<pallas_src>
import functools

import jax
import jax.numpy as jnp
from jax import lax
from jax.experimental import pallas as pl
from jax.experimental.pallas import tpu as pltpu
from jax.experimental.pallas import tpu_sc as plsc

B = 4
T = 8192
D = 768
PAD = 2
NROWS = T + PAD

_info = plsc.get_sparse_core_info()
NC = _info.num_cores
NS = _info.num_subcores
L = _info.num_lanes
NW = NC * NS
ROWS_PER_W = T // NW
CH = 64
NBUF = 2
NCHUNK = ROWS_PER_W // CH

_mesh = plsc.VectorSubcoreMesh(core_axis_name="c", subcore_axis_name="s")


@functools.partial(
    pl.kernel,
    mesh=_mesh,
    out_type=jax.ShapeDtypeStruct((B, T, D), jnp.float32),
    scratch_types=(
        [pltpu.VMEM((CH, D), jnp.float32) for _ in range(NBUF)]
        + [pltpu.VMEM((ROWS_PER_W,), jnp.int32)]
        + [pltpu.SemaphoreType.DMA for _ in range(2 * NBUF)]
    ),
)
def _pos_embed(w_hbm, out_hbm, *scratch):
    bufs = scratch[:NBUF]
    idx = scratch[NBUF]
    lsems = scratch[NBUF + 1 : NBUF + 1 + NBUF]
    ssems = scratch[NBUF + 1 + NBUF :]
    wid = lax.axis_index("s") * NC + lax.axis_index("c")
    base = wid * ROWS_PER_W

    lane = lax.iota(jnp.int32, L)
    for j in range(ROWS_PER_W // L):
        idx[pl.ds(j * L, L)] = lane + (PAD + base + j * L)

    def start_load(i):
        return pltpu.async_copy(
            w_hbm.at[idx.at[pl.ds(i * CH, CH)]], bufs[i % NBUF], lsems[i % NBUF]
        )

    def fire_stores(i):
        return [
            pltpu.async_copy(
                bufs[i % NBUF],
                out_hbm.at[b, pl.ds(base + i * CH, CH)],
                ssems[i % NBUF],
            )
            for b in range(B)
        ]

    loads = {i: start_load(i) for i in range(min(NBUF, NCHUNK))}
    stores = {}
    for i in range(NCHUNK):
        loads[i].wait()
        stores[i] = fire_stores(i)
        if i + NBUF < NCHUNK:
            for h in stores[i]:
                h.wait()
            loads[i + NBUF] = start_load(i + NBUF)
    for i in range(max(0, NCHUNK - NBUF), NCHUNK):
        for h in stores[i]:
            h.wait()


def kernel(input, weights):
    del input
    return _pos_embed(weights)

# --- scband reference (transcript-rebuilt; emitter-appended) ---
"""Pipeline reference for scband-positional-embedding-33200097198561 (READ-ONLY COPY).

The authoritative reference and input builder live on the scoring server;
editing this copy changes nothing except your own understanding.
"""

import jax, jax.numpy as jnp
import numpy as np

MAX_POSITIONS = 8192
EMBED_DIM = 768
PADDING_IDX = 1
B = 4
T = 8192


def setup_inputs(seed: int = 0) -> dict:
    key = jax.random.key(seed)
    k1, k2 = jax.random.split(key)
    inp = jax.random.randint(k1, (B, T), 0, 8192)
    weights = jax.random.normal(k2, (MAX_POSITIONS + PADDING_IDX + 1, EMBED_DIM), dtype=jnp.float32) * (EMBED_DIM ** -0.5)
    weights = weights.at[PADDING_IDX].set(0.0)
    return {"input": inp, "weights": weights}


def reference(input, weights):
    # input: [B, T] token indices (values unused; only shape matters, matching torch module)
    b, t = input.shape
    positions = jnp.arange(t, dtype=jnp.int32) + PADDING_IDX + 1
    positions = jnp.broadcast_to(positions[None, :], (b, t))
    # embedding lookup -> gather rows from the positional table
    return jnp.take(weights, positions, axis=0)

if __name__ == "__main__":
    import jax
    _d = setup_inputs()
    print(jax.jit(kernel)(*tuple(_d.values())))

</pallas_src>

<mosaic_0001>
#map = affine_map<(d0, d1) -> (0, 0)>
#map1 = affine_map<(d0, d1) -> (0, 0, 0)>
module attributes {stable_mosaic.version = 14 : i64} {
  func.func @_pos_embed(%arg0: i32, %arg1: i32, %arg2: memref<8194x768xf32, #tpu.memory_space<hbm>>, %arg3: memref<4x8192x768xf32, #tpu.memory_space<hbm>>, %arg4: memref<64x768xf32, #tpu.memory_space<vmem>>, %arg5: memref<64x768xf32, #tpu.memory_space<vmem>>, %arg6: memref<256xi32, #tpu.memory_space<vmem>>, %arg7: memref<!tpu.dma_semaphore, #tpu.memory_space<semaphore_mem>>, %arg8: memref<!tpu.dma_semaphore, #tpu.memory_space<semaphore_mem>>, %arg9: memref<!tpu.dma_semaphore, #tpu.memory_space<semaphore_mem>>, %arg10: memref<!tpu.dma_semaphore, #tpu.memory_space<semaphore_mem>>) attributes {dimension_semantics = [#tpu.dimension_semantics<core_parallel>, #tpu.dimension_semantics<subcore_parallel>], iteration_bounds = array<i64: 2, 16>, scalar_prefetch = 0 : i64, scratch_operands = 7 : i64, tpu.core_type = #tpu.core_type<sc_vector_subcore>, window_params = [{transform_indices = #map}, {transform_indices = #map1}]} {
    %mul3A = arith.constant 2 : i32
    %mul3A_0 = arith.muli %arg1, %mul3A : i32
    %add3A = arith.addi %mul3A_0, %arg0 : i32
    %mul3A_1 = arith.constant 256 : i32
    %mul3A_2 = arith.muli %add3A, %mul3A_1 : i32
    %iota3A = tpu.iota {dimensions = array<i32: 0>} : vector<16xi32>
    %add3A_3 = arith.constant 2 : i32
    %add3A_4 = arith.addi %add3A_3, %mul3A_2 : i32
    %add3A_5 = arith.constant 0 : i32
    %add3A_6 = arith.addi %add3A_4, %add3A_5 : i32
    %add3A_7 = vector.broadcast %add3A_6 : i32 to vector<16xi32>
    %add3A_8 = arith.addi %iota3A, %add3A_7 : vector<16xi32>
    %swap3A = arith.constant 0 : index
    %swap3A_9 = tpu.vector_load %arg6[%swap3A] {strides = array<i32>} : memref<256xi32, #tpu.memory_space<vmem>>, vector<16xi32>,
    %swap3A_10 = vector.shape_cast %swap3A_9 : vector<16xi32> to vector<16xi32>
    %swap3A_11 = vector.shape_cast %add3A_8 : vector<16xi32> to vector<16xi32>
    tpu.vector_store %arg6[%swap3A], %swap3A_11 {strides = array<i32>} : memref<256xi32, #tpu.memory_space<vmem>>, vector<16xi32>,
    %add3A_12 = arith.constant 2 : i32
    %add3A_13 = arith.addi %add3A_12, %mul3A_2 : i32
    %add3A_14 = arith.constant 16 : i32
    %add3A_15 = arith.addi %add3A_13, %add3A_14 : i32
    %add3A_16 = vector.broadcast %add3A_15 : i32 to vector<16xi32>
    %add3A_17 = arith.addi %iota3A, %add3A_16 : vector<16xi32>
    %swap3A_18 = arith.constant 16 : index
    %swap3A_19 = tpu.vector_load %arg6[%swap3A_18] {strides = array<i32>} : memref<256xi32, #tpu.memory_space<vmem>>, vector<16xi32>,
    %swap3A_20 = vector.shape_cast %swap3A_19 : vector<16xi32> to vector<16xi32>
    %swap3A_21 = vector.shape_cast %add3A_17 : vector<16xi32> to vector<16xi32>
    tpu.vector_store %arg6[%swap3A_18], %swap3A_21 {strides = array<i32>} : memref<256xi32, #tpu.memory_space<vmem>>, vector<16xi32>,
    %add3A_22 = arith.constant 2 : i32
    %add3A_23 = arith.addi %add3A_22, %mul3A_2 : i32
    %add3A_24 = arith.constant 32 : i32
    %add3A_25 = arith.addi %add3A_23, %add3A_24 : i32
    %add3A_26 = vector.broadcast %add3A_25 : i32 to vector<16xi32>
    %add3A_27 = arith.addi %iota3A, %add3A_26 : vector<16xi32>
    %swap3A_28 = arith.constant 32 : index
    %swap3A_29 = tpu.vector_load %arg6[%swap3A_28] {strides = array<i32>} : memref<256xi32, #tpu.memory_space<vmem>>, vector<16xi32>,
    %swap3A_30 = vector.shape_cast %swap3A_29 : vector<16xi32> to vector<16xi32>
    %swap3A_31 = vector.shape_cast %add3A_27 : vector<16xi32> to vector<16xi32>
    tpu.vector_store %arg6[%swap3A_28], %swap3A_31 {strides = array<i32>} : memref<256xi32, #tpu.memory_space<vmem>>, vector<16xi32>,
    %add3A_32 = arith.constant 2 : i32
    %add3A_33 = arith.addi %add3A_32, %mul3A_2 : i32
    %add3A_34 = arith.constant 48 : i32
    %add3A_35 = arith.addi %add3A_33, %add3A_34 : i32
    %add3A_36 = vector.broadcast %add3A_35 : i32 to vector<16xi32>
    %add3A_37 = arith.addi %iota3A, %add3A_36 : vector<16xi32>
    %swap3A_38 = arith.constant 48 : index
    %swap3A_39 = tpu.vector_load %arg6[%swap3A_38] {strides = array<i32>} : memref<256xi32, #tpu.memory_space<vmem>>, vector<16xi32>,
    %swap3A_40 = vector.shape_cast %swap3A_39 : vector<16xi32> to vector<16xi32>
    %swap3A_41 = vector.shape_cast %add3A_37 : vector<16xi32> to vector<16xi32>
    tpu.vector_store %arg6[%swap3A_38], %swap3A_41 {strides = array<i32>} : memref<256xi32, #tpu.memory_space<vmem>>, vector<16xi32>,
    %add3A_42 = arith.constant 2 : i32
    %add3A_43 = arith.addi %add3A_42, %mul3A_2 : i32
    %add3A_44 = arith.constant 64 : i32
    %add3A_45 = arith.addi %add3A_43, %add3A_44 : i32
    %add3A_46 = vector.broadcast %add3A_45 : i32 to vector<16xi32>
    %add3A_47 = arith.addi %iota3A, %add3A_46 : vector<16xi32>
    %swap3A_48 = arith.constant 64 : index
    %swap3A_49 = tpu.vector_load %arg6[%swap3A_48] {strides = array<i32>} : memref<256xi32, #tpu.memory_space<vmem>>, vector<16xi32>,
    %swap3A_50 = vector.shape_cast %swap3A_49 : vector<16xi32> to vector<16xi32>
    %swap3A_51 = vector.shape_cast %add3A_47 : vector<16xi32> to vector<16xi32>
    tpu.vector_store %arg6[%swap3A_48], %swap3A_51 {strides = array<i32>} : memref<256xi32, #tpu.memory_space<vmem>>, vector<16xi32>,
    %add3A_52 = arith.constant 2 : i32
    %add3A_53 = arith.addi %add3A_52, %mul3A_2 : i32
    %add3A_54 = arith.constant 80 : i32
    %add3A_55 = arith.addi %add3A_53, %add3A_54 : i32
    %add3A_56 = vector.broadcast %add3A_55 : i32 to vector<16xi32>
    %add3A_57 = arith.addi %iota3A, %add3A_56 : vector<16xi32>
    %swap3A_58 = arith.constant 80 : index
    %swap3A_59 = tpu.vector_load %arg6[%swap3A_58] {strides = array<i32>} : memref<256xi32, #tpu.memory_space<vmem>>, vector<16xi32>,
    %swap3A_60 = vector.shape_cast %swap3A_59 : vector<16xi32> to vector<16xi32>
    %swap3A_61 = vector.shape_cast %add3A_57 : vector<16xi32> to vector<16xi32>
    tpu.vector_store %arg6[%swap3A_58], %swap3A_61 {strides = array<i32>} : memref<256xi32, #tpu.memory_space<vmem>>, vector<16xi32>,
    %add3A_62 = arith.constant 2 : i32
    %add3A_63 = arith.addi %add3A_62, %mul3A_2 : i32
    %add3A_64 = arith.constant 96 : i32
    %add3A_65 = arith.addi %add3A_63, %add3A_64 : i32
    %add3A_66 = vector.broadcast %add3A_65 : i32 to vector<16xi32>
    %add3A_67 = arith.addi %iota3A, %add3A_66 : vector<16xi32>
    %swap3A_68 = arith.constant 96 : index
    %swap3A_69 = tpu.vector_load %arg6[%swap3A_68] {strides = array<i32>} : memref<256xi32, #tpu.memory_space<vmem>>, vector<16xi32>,
    %swap3A_70 = vector.shape_cast %swap3A_69 : vector<16xi32> to vector<16xi32>
    %swap3A_71 = vector.shape_cast %add3A_67 : vector<16xi32> to vector<16xi32>
    tpu.vector_store %arg6[%swap3A_68], %swap3A_71 {strides = array<i32>} : memref<256xi32, #tpu.memory_space<vmem>>, vector<16xi32>,
    %add3A_72 = arith.constant 2 : i32
    %add3A_73 = arith.addi %add3A_72, %mul3A_2 : i32
    %add3A_74 = arith.constant 112 : i32
    %add3A_75 = arith.addi %add3A_73, %add3A_74 : i32
    %add3A_76 = vector.broadcast %add3A_75 : i32 to vector<16xi32>
    %add3A_77 = arith.addi %iota3A, %add3A_76 : vector<16xi32>
    %swap3A_78 = arith.constant 112 : index
    %swap3A_79 = tpu.vector_load %arg6[%swap3A_78] {strides = array<i32>} : memref<256xi32, #tpu.memory_space<vmem>>, vector<16xi32>,
    %swap3A_80 = vector.shape_cast %swap3A_79 : vector<16xi32> to vector<16xi32>
    %swap3A_81 = vector.shape_cast %add3A_77 : vector<16xi32> to vector<16xi32>
    tpu.vector_store %arg6[%swap3A_78], %swap3A_81 {strides = array<i32>} : memref<256xi32, #tpu.memory_space<vmem>>, vector<16xi32>,
    %add3A_82 = arith.constant 2 : i32
    %add3A_83 = arith.addi %add3A_82, %mul3A_2 : i32
    %add3A_84 = arith.constant 128 : i32
    %add3A_85 = arith.addi %add3A_83, %add3A_84 : i32
    %add3A_86 = vector.broadcast %add3A_85 : i32 to vector<16xi32>
    %add3A_87 = arith.addi %iota3A, %add3A_86 : vector<16xi32>
    %swap3A_88 = arith.constant 128 : index
    %swap3A_89 = tpu.vector_load %arg6[%swap3A_88] {strides = array<i32>} : memref<256xi32, #tpu.memory_space<vmem>>, vector<16xi32>,
    %swap3A_90 = vector.shape_cast %swap3A_89 : vector<16xi32> to vector<16xi32>
    %swap3A_91 = vector.shape_cast %add3A_87 : vector<16xi32> to vector<16xi32>
    tpu.vector_store %arg6[%swap3A_88], %swap3A_91 {strides = array<i32>} : memref<256xi32, #tpu.memory_space<vmem>>, vector<16xi32>,
    %add3A_92 = arith.constant 2 : i32
    %add3A_93 = arith.addi %add3A_92, %mul3A_2 : i32
    %add3A_94 = arith.constant 144 : i32
    %add3A_95 = arith.addi %add3A_93, %add3A_94 : i32
    %add3A_96 = vector.broadcast %add3A_95 : i32 to vector<16xi32>
    %add3A_97 = arith.addi %iota3A, %add3A_96 : vector<16xi32>
    %swap3A_98 = arith.constant 144 : index
    %swap3A_99 = tpu.vector_load %arg6[%swap3A_98] {strides = array<i32>} : memref<256xi32, #tpu.memory_space<vmem>>, vector<16xi32>,
    %swap3A_100 = vector.shape_cast %swap3A_99 : vector<16xi32> to vector<16xi32>
    %swap3A_101 = vector.shape_cast %add3A_97 : vector<16xi32> to vector<16xi32>
    tpu.vector_store %arg6[%swap3A_98], %swap3A_101 {strides = array<i32>} : memref<256xi32, #tpu.memory_space<vmem>>, vector<16xi32>,
    %add3A_102 = arith.constant 2 : i32
    %add3A_103 = arith.addi %add3A_102, %mul3A_2 : i32
    %add3A_104 = arith.constant 160 : i32
    %add3A_105 = arith.addi %add3A_103, %add3A_104 : i32
    %add3A_106 = vector.broadcast %add3A_105 : i32 to vector<16xi32>
    %add3A_107 = arith.addi %iota3A, %add3A_106 : vector<16xi32>
    %swap3A_108 = arith.constant 160 : index
    %swap3A_109 = tpu.vector_load %arg6[%swap3A_108] {strides = array<i32>} : memref<256xi32, #tpu.memory_space<vmem>>, vector<16xi32>,
    %swap3A_110 = vector.shape_cast %swap3A_109 : vector<16xi32> to vector<16xi32>
    %swap3A_111 = vector.shape_cast %add3A_107 : vector<16xi32> to vector<16xi32>
    tpu.vector_store %arg6[%swap3A_108], %swap3A_111 {strides = array<i32>} : memref<256xi32, #tpu.memory_space<vmem>>, vector<16xi32>,
    %add3A_112 = arith.constant 2 : i32
    %add3A_113 = arith.addi %add3A_112, %mul3A_2 : i32
    %add3A_114 = arith.constant 176 : i32
    %add3A_115 = arith.addi %add3A_113, %add3A_114 : i32
    %add3A_116 = vector.broadcast %add3A_115 : i32 to vector<16xi32>
    %add3A_117 = arith.addi %iota3A, %add3A_116 : vector<16xi32>
    %swap3A_118 = arith.constant 176 : index
    %swap3A_119 = tpu.vector_load %arg6[%swap3A_118] {strides = array<i32>} : memref<256xi32, #tpu.memory_space<vmem>>, vector<16xi32>,
    %swap3A_120 = vector.shape_cast %swap3A_119 : vector<16xi32> to vector<16xi32>
    %swap3A_121 = vector.shape_cast %add3A_117 : vector<16xi32> to vector<16xi32>
    tpu.vector_store %arg6[%swap3A_118], %swap3A_121 {strides = array<i32>} : memref<256xi32, #tpu.memory_space<vmem>>, vector<16xi32>,
    %add3A_122 = arith.constant 2 : i32
    %add3A_123 = arith.addi %add3A_122, %mul3A_2 : i32
    %add3A_124 = arith.constant 192 : i32
    %add3A_125 = arith.addi %add3A_123, %add3A_124 : i32
    %add3A_126 = vector.broadcast %add3A_125 : i32 to vector<16xi32>
    %add3A_127 = arith.addi %iota3A, %add3A_126 : vector<16xi32>
    %swap3A_128 = arith.constant 192 : index
    %swap3A_129 = tpu.vector_load %arg6[%swap3A_128] {strides = array<i32>} : memref<256xi32, #tpu.memory_space<vmem>>, vector<16xi32>,
    %swap3A_130 = vector.shape_cast %swap3A_129 : vector<16xi32> to vector<16xi32>
    %swap3A_131 = vector.shape_cast %add3A_127 : vector<16xi32> to vector<16xi32>
    tpu.vector_store %arg6[%swap3A_128], %swap3A_131 {strides = array<i32>} : memref<256xi32, #tpu.memory_space<vmem>>, vector<16xi32>,
    %add3A_132 = arith.constant 2 : i32
    %add3A_133 = arith.addi %add3A_132, %mul3A_2 : i32
    %add3A_134 = arith.constant 208 : i32
    %add3A_135 = arith.addi %add3A_133, %add3A_134 : i32
    %add3A_136 = vector.broadcast %add3A_135 : i32 to vector<16xi32>
    %add3A_137 = arith.addi %iota3A, %add3A_136 : vector<16xi32>
    %swap3A_138 = arith.constant 208 : index
    %swap3A_139 = tpu.vector_load %arg6[%swap3A_138] {strides = array<i32>} : memref<256xi32, #tpu.memory_space<vmem>>, vector<16xi32>,
    %swap3A_140 = vector.shape_cast %swap3A_139 : vector<16xi32> to vector<16xi32>
    %swap3A_141 = vector.shape_cast %add3A_137 : vector<16xi32> to vector<16xi32>
    tpu.vector_store %arg6[%swap3A_138], %swap3A_141 {strides = array<i32>} : memref<256xi32, #tpu.memory_space<vmem>>, vector<16xi32>,
    %add3A_142 = arith.constant 2 : i32
    %add3A_143 = arith.addi %add3A_142, %mul3A_2 : i32
    %add3A_144 = arith.constant 224 : i32
    %add3A_145 = arith.addi %add3A_143, %add3A_144 : i32
    %add3A_146 = vector.broadcast %add3A_145 : i32 to vector<16xi32>
    %add3A_147 = arith.addi %iota3A, %add3A_146 : vector<16xi32>
    %swap3A_148 = arith.constant 224 : index
    %swap3A_149 = tpu.vector_load %arg6[%swap3A_148] {strides = array<i32>} : memref<256xi32, #tpu.memory_space<vmem>>, vector<16xi32>,
    %swap3A_150 = vector.shape_cast %swap3A_149 : vector<16xi32> to vector<16xi32>
    %swap3A_151 = vector.shape_cast %add3A_147 : vector<16xi32> to vector<16xi32>
    tpu.vector_store %arg6[%swap3A_148], %swap3A_151 {strides = array<i32>} : memref<256xi32, #tpu.memory_space<vmem>>, vector<16xi32>,
    %add3A_152 = arith.constant 2 : i32
    %add3A_153 = arith.addi %add3A_152, %mul3A_2 : i32
    %add3A_154 = arith.constant 240 : i32
    %add3A_155 = arith.addi %add3A_153, %add3A_154 : i32
    %add3A_156 = vector.broadcast %add3A_155 : i32 to vector<16xi32>
    %add3A_157 = arith.addi %iota3A, %add3A_156 : vector<16xi32>
    %swap3A_158 = arith.constant 240 : index
    %swap3A_159 = tpu.vector_load %arg6[%swap3A_158] {strides = array<i32>} : memref<256xi32, #tpu.memory_space<vmem>>, vector<16xi32>,
    %swap3A_160 = vector.shape_cast %swap3A_159 : vector<16xi32> to vector<16xi32>
    %swap3A_161 = vector.shape_cast %add3A_157 : vector<16xi32> to vector<16xi32>
    tpu.vector_store %arg6[%swap3A_158], %swap3A_161 {strides = array<i32>} : memref<256xi32, #tpu.memory_space<vmem>>, vector<16xi32>,
    %dma_start3A = arith.constant 0 : i32
    %dma_start3A_162 = tpu.memref_slice %arg6[%dma_start3A] : memref<256xi32, #tpu.memory_space<vmem>> -> memref<64xi32, #tpu.memory_space<vmem>>
    %dma_start3A_163 = arith.constant 0 : i32
    %dma_start3A_164 = arith.constant 0 : i32
    %dma_start3A_165 = tpu.memref_slice %arg2[%dma_start3A_163, %dma_start3A_164] : memref<8194x768xf32, #tpu.memory_space<hbm>> -> memref<8194x768xf32, #tpu.memory_space<hbm>>
    tpu.enqueue_indirect_dma source(%dma_start3A_165 : memref<8194x768xf32, #tpu.memory_space<hbm>>) target(%arg4 : memref<64x768xf32, #tpu.memory_space<vmem>>) offsets(%dma_start3A_162 : memref<64xi32, #tpu.memory_space<vmem>>) semaphore(%arg7 : memref<!tpu.dma_semaphore, #tpu.memory_space<semaphore_mem>>)
    %dma_start3A_166 = arith.constant 64 : i32
    %dma_start3A_167 = tpu.memref_slice %arg6[%dma_start3A_166] : memref<256xi32, #tpu.memory_space<vmem>> -> memref<64xi32, #tpu.memory_space<vmem>>
    %dma_start3A_168 = arith.constant 0 : i32
    %dma_start3A_169 = arith.constant 0 : i32
    %dma_start3A_170 = tpu.memref_slice %arg2[%dma_start3A_168, %dma_start3A_169] : memref<8194x768xf32, #tpu.memory_space<hbm>> -> memref<8194x768xf32, #tpu.memory_space<hbm>>
    tpu.enqueue_indirect_dma source(%dma_start3A_170 : memref<8194x768xf32, #tpu.memory_space<hbm>>) target(%arg5 : memref<64x768xf32, #tpu.memory_space<vmem>>) offsets(%dma_start3A_167 : memref<64xi32, #tpu.memory_space<vmem>>) semaphore(%arg8 : memref<!tpu.dma_semaphore, #tpu.memory_space<semaphore_mem>>)
    %dma_wait3A = arith.constant 0 : i32
    %dma_wait3A_171 = tpu.memref_slice %arg6[%dma_wait3A] : memref<256xi32, #tpu.memory_space<vmem>> -> memref<64xi32, #tpu.memory_space<vmem>>
    %dma_wait3A_172 = arith.constant 0 : i32
    %dma_wait3A_173 = arith.constant 0 : i32
    %dma_wait3A_174 = tpu.memref_slice %arg2[%dma_wait3A_172, %dma_wait3A_173] : memref<8194x768xf32, #tpu.memory_space<hbm>> -> memref<8194x768xf32, #tpu.memory_space<hbm>>
    tpu.wait_indirect_dma semaphore(%arg7 : memref<!tpu.dma_semaphore, #tpu.memory_space<semaphore_mem>>) src(%dma_wait3A_174 : memref<8194x768xf32, #tpu.memory_space<hbm>>) dst(%arg4 : memref<64x768xf32, #tpu.memory_space<vmem>>)
    %add3A_175 = arith.constant 0 : i32
    %add3A_176 = arith.addi %mul3A_2, %add3A_175 : i32
    %dma_start3A_177 = arith.constant 0 : i32
    %dma_start3A_178 = arith.constant 0 : i32
    %dma_start3A_179 = tpu.memref_slice %arg3[%dma_start3A_177, %add3A_176, %dma_start3A_178] : memref<4x8192x768xf32, #tpu.memory_space<hbm>> -> memref<1x64x768xf32, #tpu.memory_space<hbm>>
    %dma_start3A_180 = tpu.memref_squeeze %dma_start3A_179 : memref<1x64x768xf32, #tpu.memory_space<hbm>> -> memref<64x768xf32, #tpu.memory_space<hbm>>
    %dma_start3A_181 = arith.constant 0 : i32
    %dma_start3A_182 = tpu.memref_slice %arg3[%dma_start3A_177, %add3A_176, %dma_start3A_181] : memref<4x8192x768xf32, #tpu.memory_space<hbm>> -> memref<1x64x768xf32, #tpu.memory_space<hbm>>
    %dma_start3A_183 = tpu.memref_squeeze %dma_start3A_182 : memref<1x64x768xf32, #tpu.memory_space<hbm>> -> memref<64x768xf32, #tpu.memory_space<hbm>>
    tpu.enqueue_dma source(%arg4 : memref<64x768xf32, #tpu.memory_space<vmem>>) target(%dma_start3A_183 : memref<64x768xf32, #tpu.memory_space<hbm>>) target_semaphore(%arg9 : memref<!tpu.dma_semaphore, #tpu.memory_space<semaphore_mem>>)
    %add3A_184 = arith.constant 0 : i32
    %add3A_185 = arith.addi %mul3A_2, %add3A_184 : i32
    %dma_start3A_186 = arith.constant 1 : i32
    %dma_start3A_187 = arith.constant 0 : i32
    %dma_start3A_188 = tpu.memref_slice %arg3[%dma_start3A_186, %add3A_185, %dma_start3A_187] : memref<4x8192x768xf32, #tpu.memory_space<hbm>> -> memref<1x64x768xf32, #tpu.memory_space<hbm>>
    %dma_start3A_189 = tpu.memref_squeeze %dma_start3A_188 : memref<1x64x768xf32, #tpu.memory_space<hbm>> -> memref<64x768xf32, #tpu.memory_space<hbm>>
    %dma_start3A_190 = arith.constant 0 : i32
    %dma_start3A_191 = tpu.memref_slice %arg3[%dma_start3A_186, %add3A_185, %dma_start3A_190] : memref<4x8192x768xf32, #tpu.memory_space<hbm>> -> memref<1x64x768xf32, #tpu.memory_space<hbm>>
    %dma_start3A_192 = tpu.memref_squeeze %dma_start3A_191 : memref<1x64x768xf32, #tpu.memory_space<hbm>> -> memref<64x768xf32, #tpu.memory_space<hbm>>
    tpu.enqueue_dma source(%arg4 : memref<64x768xf32, #tpu.memory_space<vmem>>) target(%dma_start3A_192 : memref<64x768xf32, #tpu.memory_space<hbm>>) target_semaphore(%arg9 : memref<!tpu.dma_semaphore, #tpu.memory_space<semaphore_mem>>)
    %add3A_193 = arith.constant 0 : i32
    %add3A_194 = arith.addi %mul3A_2, %add3A_193 : i32
    %dma_start3A_195 = arith.constant 2 : i32
    %dma_start3A_196 = arith.constant 0 : i32
    %dma_start3A_197 = tpu.memref_slice %arg3[%dma_start3A_195, %add3A_194, %dma_start3A_196] : memref<4x8192x768xf32, #tpu.memory_space<hbm>> -> memref<1x64x768xf32, #tpu.memory_space<hbm>>
    %dma_start3A_198 = tpu.memref_squeeze %dma_start3A_197 : memref<1x64x768xf32, #tpu.memory_space<hbm>> -> memref<64x768xf32, #tpu.memory_space<hbm>>
    %dma_start3A_199 = arith.constant 0 : i32
    %dma_start3A_200 = tpu.memref_slice %arg3[%dma_start3A_195, %add3A_194, %dma_start3A_199] : memref<4x8192x768xf32, #tpu.memory_space<hbm>> -> memref<1x64x768xf32, #tpu.memory_space<hbm>>
    %dma_start3A_201 = tpu.memref_squeeze %dma_start3A_200 : memref<1x64x768xf32, #tpu.memory_space<hbm>> -> memref<64x768xf32, #tpu.memory_space<hbm>>
    tpu.enqueue_dma source(%arg4 : memref<64x768xf32, #tpu.memory_space<vmem>>) target(%dma_start3A_201 : memref<64x768xf32, #tpu.memory_space<hbm>>) target_semaphore(%arg9 : memref<!tpu.dma_semaphore, #tpu.memory_space<semaphore_mem>>)
    %add3A_202 = arith.constant 0 : i32
    %add3A_203 = arith.addi %mul3A_2, %add3A_202 : i32
    %dma_start3A_204 = arith.constant 3 : i32
    %dma_start3A_205 = arith.constant 0 : i32
    %dma_start3A_206 = tpu.memref_slice %arg3[%dma_start3A_204, %add3A_203, %dma_start3A_205] : memref<4x8192x768xf32, #tpu.memory_space<hbm>> -> memref<1x64x768xf32, #tpu.memory_space<hbm>>
    %dma_start3A_207 = tpu.memref_squeeze %dma_start3A_206 : memref<1x64x768xf32, #tpu.memory_space<hbm>> -> memref<64x768xf32, #tpu.memory_space<hbm>>
    %dma_start3A_208 = arith.constant 0 : i32
    %dma_start3A_209 = tpu.memref_slice %arg3[%dma_start3A_204, %add3A_203, %dma_start3A_208] : memref<4x8192x768xf32, #tpu.memory_space<hbm>> -> memref<1x64x768xf32, #tpu.memory_space<hbm>>
    %dma_start3A_210 = tpu.memref_squeeze %dma_start3A_209 : memref<1x64x768xf32, #tpu.memory_space<hbm>> -> memref<64x768xf32, #tpu.memory_space<hbm>>
    tpu.enqueue_dma source(%arg4 : memref<64x768xf32, #tpu.memory_space<vmem>>) target(%dma_start3A_210 : memref<64x768xf32, #tpu.memory_space<hbm>>) target_semaphore(%arg9 : memref<!tpu.dma_semaphore, #tpu.memory_space<semaphore_mem>>)
    %dma_wait3A_211 = arith.constant 0 : i32
    %dma_wait3A_212 = arith.constant 0 : i32
    %dma_wait3A_213 = tpu.memref_slice %arg3[%dma_wait3A_211, %add3A_176, %dma_wait3A_212] : memref<4x8192x768xf32, #tpu.memory_space<hbm>> -> memref<1x64x768xf32, #tpu.memory_space<hbm>>
    %dma_wait3A_214 = tpu.memref_squeeze %dma_wait3A_213 : memref<1x64x768xf32, #tpu.memory_space<hbm>> -> memref<64x768xf32, #tpu.memory_space<hbm>>
    %dma_wait3A_215 = arith.constant 0 : i32
    %dma_wait3A_216 = tpu.memref_slice %arg3[%dma_wait3A_211, %add3A_176, %dma_wait3A_215] : memref<4x8192x768xf32, #tpu.memory_space<hbm>> -> memref<1x64x768xf32, #tpu.memory_space<hbm>>
    %dma_wait3A_217 = tpu.memref_squeeze %dma_wait3A_216 : memref<1x64x768xf32, #tpu.memory_space<hbm>> -> memref<64x768xf32, #tpu.memory_space<hbm>>
    tpu.wait_dma2 semaphore(%arg9 : memref<!tpu.dma_semaphore, #tpu.memory_space<semaphore_mem>>) src(%arg4 : memref<64x768xf32, #tpu.memory_space<vmem>>) dst(%dma_wait3A_217 : memref<64x768xf32, #tpu.memory_space<hbm>>)
    %dma_wait3A_218 = arith.constant 1 : i32
    %dma_wait3A_219 = arith.constant 0 : i32
    %dma_wait3A_220 = tpu.memref_slice %arg3[%dma_wait3A_218, %add3A_185, %dma_wait3A_219] : memref<4x8192x768xf32, #tpu.memory_space<hbm>> -> memref<1x64x768xf32, #tpu.memory_space<hbm>>
    %dma_wait3A_221 = tpu.memref_squeeze %dma_wait3A_220 : memref<1x64x768xf32, #tpu.memory_space<hbm>> -> memref<64x768xf32, #tpu.memory_space<hbm>>
    %dma_wait3A_222 = arith.constant 0 : i32
    %dma_wait3A_223 = tpu.memref_slice %arg3[%dma_wait3A_218, %add3A_185, %dma_wait3A_222] : memref<4x8192x768xf32, #tpu.memory_space<hbm>> -> memref<1x64x768xf32, #tpu.memory_space<hbm>>
    %dma_wait3A_224 = tpu.memref_squeeze %dma_wait3A_223 : memref<1x64x768xf32, #tpu.memory_space<hbm>> -> memref<64x768xf32, #tpu.memory_space<hbm>>
    tpu.wait_dma2 semaphore(%arg9 : memref<!tpu.dma_semaphore, #tpu.memory_space<semaphore_mem>>) src(%arg4 : memref<64x768xf32, #tpu.memory_space<vmem>>) dst(%dma_wait3A_224 : memref<64x768xf32, #tpu.memory_space<hbm>>)
    %dma_wait3A_225 = arith.constant 2 : i32
    %dma_wait3A_226 = arith.constant 0 : i32
    %dma_wait3A_227 = tpu.memref_slice %arg3[%dma_wait3A_225, %add3A_194, %dma_wait3A_226] : memref<4x8192x768xf32, #tpu.memory_space<hbm>> -> memref<1x64x768xf32, #tpu.memory_space<hbm>>
    %dma_wait3A_228 = tpu.memref_squeeze %dma_wait3A_227 : memref<1x64x768xf32, #tpu.memory_space<hbm>> -> memref<64x768xf32, #tpu.memory_space<hbm>>
    %dma_wait3A_229 = arith.constant 0 : i32
    %dma_wait3A_230 = tpu.memref_slice %arg3[%dma_wait3A_225, %add3A_194, %dma_wait3A_229] : memref<4x8192x768xf32, #tpu.memory_space<hbm>> -> memref<1x64x768xf32, #tpu.memory_space<hbm>>
    %dma_wait3A_231 = tpu.memref_squeeze %dma_wait3A_230 : memref<1x64x768xf32, #tpu.memory_space<hbm>> -> memref<64x768xf32, #tpu.memory_space<hbm>>
    tpu.wait_dma2 semaphore(%arg9 : memref<!tpu.dma_semaphore, #tpu.memory_space<semaphore_mem>>) src(%arg4 : memref<64x768xf32, #tpu.memory_space<vmem>>) dst(%dma_wait3A_231 : memref<64x768xf32, #tpu.memory_space<hbm>>)
    %dma_wait3A_232 = arith.constant 3 : i32
    %dma_wait3A_233 = arith.constant 0 : i32
    %dma_wait3A_234 = tpu.memref_slice %arg3[%dma_wait3A_232, %add3A_203, %dma_wait3A_233] : memref<4x8192x768xf32, #tpu.memory_space<hbm>> -> memref<1x64x768xf32, #tpu.memory_space<hbm>>
    %dma_wait3A_235 = tpu.memref_squeeze %dma_wait3A_234 : memref<1x64x768xf32, #tpu.memory_space<hbm>> -> memref<64x768xf32, #tpu.memory_space<hbm>>
    %dma_wait3A_236 = arith.constant 0 : i32
    %dma_wait3A_237 = tpu.memref_slice %arg3[%dma_wait3A_232, %add3A_203, %dma_wait3A_236] : memref<4x8192x768xf32, #tpu.memory_space<hbm>> -> memref<1x64x768xf32, #tpu.memory_space<hbm>>
    %dma_wait3A_238 = tpu.memref_squeeze %dma_wait3A_237 : memref<1x64x768xf32, #tpu.memory_space<hbm>> -> memref<64x768xf32, #tpu.memory_space<hbm>>
    tpu.wait_dma2 semaphore(%arg9 : memref<!tpu.dma_semaphore, #tpu.memory_space<semaphore_mem>>) src(%arg4 : memref<64x768xf32, #tpu.memory_space<vmem>>) dst(%dma_wait3A_238 : memref<64x768xf32, #tpu.memory_space<hbm>>)
    %dma_start3A_239 = arith.constant 128 : i32
    %dma_start3A_240 = tpu.memref_slice %arg6[%dma_start3A_239] : memref<256xi32, #tpu.memory_space<vmem>> -> memref<64xi32, #tpu.memory_space<vmem>>
    %dma_start3A_241 = arith.constant 0 : i32
    %dma_start3A_242 = arith.constant 0 : i32
    %dma_start3A_243 = tpu.memref_slice %arg2[%dma_start3A_241, %dma_start3A_242] : memref<8194x768xf32, #tpu.memory_space<hbm>> -> memref<8194x768xf32, #tpu.memory_space<hbm>>
    tpu.enqueue_indirect_dma source(%dma_start3A_243 : memref<8194x768xf32, #tpu.memory_space<hbm>>) target(%arg4 : memref<64x768xf32, #tpu.memory_space<vmem>>) offsets(%dma_start3A_240 : memref<64xi32, #tpu.memory_space<vmem>>) semaphore(%arg7 : memref<!tpu.dma_semaphore, #tpu.memory_space<semaphore_mem>>)
    %dma_wait3A_244 = arith.constant 64 : i32
    %dma_wait3A_245 = tpu.memref_slice %arg6[%dma_wait3A_244] : memref<256xi32, #tpu.memory_space<vmem>> -> memref<64xi32, #tpu.memory_space<vmem>>
    %dma_wait3A_246 = arith.constant 0 : i32
    %dma_wait3A_247 = arith.constant 0 : i32
    %dma_wait3A_248 = tpu.memref_slice %arg2[%dma_wait3A_246, %dma_wait3A_247] : memref<8194x768xf32, #tpu.memory_space<hbm>> -> memref<8194x768xf32, #tpu.memory_space<hbm>>
    tpu.wait_indirect_dma semaphore(%arg8 : memref<!tpu.dma_semaphore, #tpu.memory_space<semaphore_mem>>) src(%dma_wait3A_248 : memref<8194x768xf32, #tpu.memory_space<hbm>>) dst(%arg5 : memref<64x768xf32, #tpu.memory_space<vmem>>)
    %add3A_249 = arith.constant 64 : i32
    %add3A_250 = arith.addi %mul3A_2, %add3A_249 : i32
    %dma_start3A_251 = arith.constant 0 : i32
    %dma_start3A_252 = arith.constant 0 : i32
    %dma_start3A_253 = tpu.memref_slice %arg3[%dma_start3A_251, %add3A_250, %dma_start3A_252] : memref<4x8192x768xf32, #tpu.memory_space<hbm>> -> memref<1x64x768xf32, #tpu.memory_space<hbm>>
    %dma_start3A_254 = tpu.memref_squeeze %dma_start3A_253 : memref<1x64x768xf32, #tpu.memory_space<hbm>> -> memref<64x768xf32, #tpu.memory_space<hbm>>
    %dma_start3A_255 = arith.constant 0 : i32
    %dma_start3A_256 = tpu.memref_slice %arg3[%dma_start3A_251, %add3A_250, %dma_start3A_255] : memref<4x8192x768xf32, #tpu.memory_space<hbm>> -> memref<1x64x768xf32, #tpu.memory_space<hbm>>
    %dma_start3A_257 = tpu.memref_squeeze %dma_start3A_256 : memref<1x64x768xf32, #tpu.memory_space<hbm>> -> memref<64x768xf32, #tpu.memory_space<hbm>>
    tpu.enqueue_dma source(%arg5 : memref<64x768xf32, #tpu.memory_space<vmem>>) target(%dma_start3A_257 : memref<64x768xf32, #tpu.memory_space<hbm>>) target_semaphore(%arg10 : memref<!tpu.dma_semaphore, #tpu.memory_space<semaphore_mem>>)
    %add3A_258 = arith.constant 64 : i32
    %add3A_259 = arith.addi %mul3A_2, %add3A_258 : i32
    %dma_start3A_260 = arith.constant 1 : i32
    %dma_start3A_261 = arith.constant 0 : i32
    %dma_start3A_262 = tpu.memref_slice %arg3[%dma_start3A_260, %add3A_259, %dma_start3A_261] : memref<4x8192x768xf32, #tpu.memory_space<hbm>> -> memref<1x64x768xf32, #tpu.memory_space<hbm>>
    %dma_start3A_263 = tpu.memref_squeeze %dma_start3A_262 : memref<1x64x768xf32, #tpu.memory_space<hbm>> -> memref<64x768xf32, #tpu.memory_space<hbm>>
    %dma_start3A_264 = arith.constant 0 : i32
    %dma_start3A_265 = tpu.memref_slice %arg3[%dma_start3A_260, %add3A_259, %dma_start3A_264] : memref<4x8192x768xf32, #tpu.memory_space<hbm>> -> memref<1x64x768xf32, #tpu.memory_space<hbm>>
    %dma_start3A_266 = tpu.memref_squeeze %dma_start3A_265 : memref<1x64x768xf32, #tpu.memory_space<hbm>> -> memref<64x768xf32, #tpu.memory_space<hbm>>
    tpu.enqueue_dma source(%arg5 : memref<64x768xf32, #tpu.memory_space<vmem>>) target(%dma_start3A_266 : memref<64x768xf32, #tpu.memory_space<hbm>>) target_semaphore(%arg10 : memref<!tpu.dma_semaphore, #tpu.memory_space<semaphore_mem>>)
    %add3A_267 = arith.constant 64 : i32
    %add3A_268 = arith.addi %mul3A_2, %add3A_267 : i32
    %dma_start3A_269 = arith.constant 2 : i32
    %dma_start3A_270 = arith.constant 0 : i32
    %dma_start3A_271 = tpu.memref_slice %arg3[%dma_start3A_269, %add3A_268, %dma_start3A_270] : memref<4x8192x768xf32, #tpu.memory_space<hbm>> -> memref<1x64x768xf32, #tpu.memory_space<hbm>>
    %dma_start3A_272 = tpu.memref_squeeze %dma_start3A_271 : memref<1x64x768xf32, #tpu.memory_space<hbm>> -> memref<64x768xf32, #tpu.memory_space<hbm>>
    %dma_start3A_273 = arith.constant 0 : i32
    %dma_start3A_274 = tpu.memref_slice %arg3[%dma_start3A_269, %add3A_268, %dma_start3A_273] : memref<4x8192x768xf32, #tpu.memory_space<hbm>> -> memref<1x64x768xf32, #tpu.memory_space<hbm>>
    %dma_start3A_275 = tpu.memref_squeeze %dma_start3A_274 : memref<1x64x768xf32, #tpu.memory_space<hbm>> -> memref<64x768xf32, #tpu.memory_space<hbm>>
    tpu.enqueue_dma source(%arg5 : memref<64x768xf32, #tpu.memory_space<vmem>>) target(%dma_start3A_275 : memref<64x768xf32, #tpu.memory_space<hbm>>) target_semaphore(%arg10 : memref<!tpu.dma_semaphore, #tpu.memory_space<semaphore_mem>>)
    %add3A_276 = arith.constant 64 : i32
    %add3A_277 = arith.addi %mul3A_2, %add3A_276 : i32
    %dma_start3A_278 = arith.constant 3 : i32
    %dma_start3A_279 = arith.constant 0 : i32
    %dma_start3A_280 = tpu.memref_slice %arg3[%dma_start3A_278, %add3A_277, %dma_start3A_279] : memref<4x8192x768xf32, #tpu.memory_space<hbm>> -> memref<1x64x768xf32, #tpu.memory_space<hbm>>
    %dma_start3A_281 = tpu.memref_squeeze %dma_start3A_280 : memref<1x64x768xf32, #tpu.memory_space<hbm>> -> memref<64x768xf32, #tpu.memory_space<hbm>>
    %dma_start3A_282 = arith.constant 0 : i32
    %dma_start3A_283 = tpu.memref_slice %arg3[%dma_start3A_278, %add3A_277, %dma_start3A_282] : memref<4x8192x768xf32, #tpu.memory_space<hbm>> -> memref<1x64x768xf32, #tpu.memory_space<hbm>>
    %dma_start3A_284 = tpu.memref_squeeze %dma_start3A_283 : memref<1x64x768xf32, #tpu.memory_space<hbm>> -> memref<64x768xf32, #tpu.memory_space<hbm>>
    tpu.enqueue_dma source(%arg5 : memref<64x768xf32, #tpu.memory_space<vmem>>) target(%dma_start3A_284 : memref<64x768xf32, #tpu.memory_space<hbm>>) target_semaphore(%arg10 : memref<!tpu.dma_semaphore, #tpu.memory_space<semaphore_mem>>)
    %dma_wait3A_285 = arith.constant 0 : i32
    %dma_wait3A_286 = arith.constant 0 : i32
    %dma_wait3A_287 = tpu.memref_slice %arg3[%dma_wait3A_285, %add3A_250, %dma_wait3A_286] : memref<4x8192x768xf32, #tpu.memory_space<hbm>> -> memref<1x64x768xf32, #tpu.memory_space<hbm>>
    %dma_wait3A_288 = tpu.memref_squeeze %dma_wait3A_287 : memref<1x64x768xf32, #tpu.memory_space<hbm>> -> memref<64x768xf32, #tpu.memory_space<hbm>>
    %dma_wait3A_289 = arith.constant 0 : i32
    %dma_wait3A_290 = tpu.memref_slice %arg3[%dma_wait3A_285, %add3A_250, %dma_wait3A_289] : memref<4x8192x768xf32, #tpu.memory_space<hbm>> -> memref<1x64x768xf32, #tpu.memory_space<hbm>>
    %dma_wait3A_291 = tpu.memref_squeeze %dma_wait3A_290 : memref<1x64x768xf32, #tpu.memory_space<hbm>> -> memref<64x768xf32, #tpu.memory_space<hbm>>
    tpu.wait_dma2 semaphore(%arg10 : memref<!tpu.dma_semaphore, #tpu.memory_space<semaphore_mem>>) src(%arg5 : memref<64x768xf32, #tpu.memory_space<vmem>>) dst(%dma_wait3A_291 : memref<64x768xf32, #tpu.memory_space<hbm>>)
    %dma_wait3A_292 = arith.constant 1 : i32
    %dma_wait3A_293 = arith.constant 0 : i32
    %dma_wait3A_294 = tpu.memref_slice %arg3[%dma_wait3A_292, %add3A_259, %dma_wait3A_293] : memref<4x8192x768xf32, #tpu.memory_space<hbm>> -> memref<1x64x768xf32, #tpu.memory_space<hbm>>
    %dma_wait3A_295 = tpu.memref_squeeze %dma_wait3A_294 : memref<1x64x768xf32, #tpu.memory_space<hbm>> -> memref<64x768xf32, #tpu.memory_space<hbm>>
    %dma_wait3A_296 = arith.constant 0 : i32
    %dma_wait3A_297 = tpu.memref_slice %arg3[%dma_wait3A_292, %add3A_259, %dma_wait3A_296] : memref<4x8192x768xf32, #tpu.memory_space<hbm>> -> memref<1x64x768xf32, #tpu.memory_space<hbm>>
    %dma_wait3A_298 = tpu.memref_squeeze %dma_wait3A_297 : memref<1x64x768xf32, #tpu.memory_space<hbm>> -> memref<64x768xf32, #tpu.memory_space<hbm>>
    tpu.wait_dma2 semaphore(%arg10 : memref<!tpu.dma_semaphore, #tpu.memory_space<semaphore_mem>>) src(%arg5 : memref<64x768xf32, #tpu.memory_space<vmem>>) dst(%dma_wait3A_298 : memref<64x768xf32, #tpu.memory_space<hbm>>)
    %dma_wait3A_299 = arith.constant 2 : i32
    %dma_wait3A_300 = arith.constant 0 : i32
    %dma_wait3A_301 = tpu.memref_slice %arg3[%dma_wait3A_299, %add3A_268, %dma_wait3A_300] : memref<4x8192x768xf32, #tpu.memory_space<hbm>> -> memref<1x64x768xf32, #tpu.memory_space<hbm>>
    %dma_wait3A_302 = tpu.memref_squeeze %dma_wait3A_301 : memref<1x64x768xf32, #tpu.memory_space<hbm>> -> memref<64x768xf32, #tpu.memory_space<hbm>>
    %dma_wait3A_303 = arith.constant 0 : i32
    %dma_wait3A_304 = tpu.memref_slice %arg3[%dma_wait3A_299, %add3A_268, %dma_wait3A_303] : memref<4x8192x768xf32, #tpu.memory_space<hbm>> -> memref<1x64x768xf32, #tpu.memory_space<hbm>>
    %dma_wait3A_305 = tpu.memref_squeeze %dma_wait3A_304 : memref<1x64x768xf32, #tpu.memory_space<hbm>> -> memref<64x768xf32, #tpu.memory_space<hbm>>
    tpu.wait_dma2 semaphore(%arg10 : memref<!tpu.dma_semaphore, #tpu.memory_space<semaphore_mem>>) src(%arg5 : memref<64x768xf32, #tpu.memory_space<vmem>>) dst(%dma_wait3A_305 : memref<64x768xf32, #tpu.memory_space<hbm>>)
    %dma_wait3A_306 = arith.constant 3 : i32
    %dma_wait3A_307 = arith.constant 0 : i32
    %dma_wait3A_308 = tpu.memref_slice %arg3[%dma_wait3A_306, %add3A_277, %dma_wait3A_307] : memref<4x8192x768xf32, #tpu.memory_space<hbm>> -> memref<1x64x768xf32, #tpu.memory_space<hbm>>
    %dma_wait3A_309 = tpu.memref_squeeze %dma_wait3A_308 : memref<1x64x768xf32, #tpu.memory_space<hbm>> -> memref<64x768xf32, #tpu.memory_space<hbm>>
    %dma_wait3A_310 = arith.constant 0 : i32
    %dma_wait3A_311 = tpu.memref_slice %arg3[%dma_wait3A_306, %add3A_277, %dma_wait3A_310] : memref<4x8192x768xf32, #tpu.memory_space<hbm>> -> memref<1x64x768xf32, #tpu.memory_space<hbm>>
    %dma_wait3A_312 = tpu.memref_squeeze %dma_wait3A_311 : memref<1x64x768xf32, #tpu.memory_space<hbm>> -> memref<64x768xf32, #tpu.memory_space<hbm>>
    tpu.wait_dma2 semaphore(%arg10 : memref<!tpu.dma_semaphore, #tpu.memory_space<semaphore_mem>>) src(%arg5 : memref<64x768xf32, #tpu.memory_space<vmem>>) dst(%dma_wait3A_312 : memref<64x768xf32, #tpu.memory_space<hbm>>)
    %dma_start3A_313 = arith.constant 192 : i32
    %dma_start3A_314 = tpu.memref_slice %arg6[%dma_start3A_313] : memref<256xi32, #tpu.memory_space<vmem>> -> memref<64xi32, #tpu.memory_space<vmem>>
    %dma_start3A_315 = arith.constant 0 : i32
    %dma_start3A_316 = arith.constant 0 : i32
    %dma_start3A_317 = tpu.memref_slice %arg2[%dma_start3A_315, %dma_start3A_316] : memref<8194x768xf32, #tpu.memory_space<hbm>> -> memref<8194x768xf32, #tpu.memory_space<hbm>>
    tpu.enqueue_indirect_dma source(%dma_start3A_317 : memref<8194x768xf32, #tpu.memory_space<hbm>>) target(%arg5 : memref<64x768xf32, #tpu.memory_space<vmem>>) offsets(%dma_start3A_314 : memref<64xi32, #tpu.memory_space<vmem>>) semaphore(%arg8 : memref<!tpu.dma_semaphore, #tpu.memory_space<semaphore_mem>>)
    %dma_wait3A_318 = arith.constant 128 : i32
    %dma_wait3A_319 = tpu.memref_slice %arg6[%dma_wait3A_318] : memref<256xi32, #tpu.memory_space<vmem>> -> memref<64xi32, #tpu.memory_space<vmem>>
    %dma_wait3A_320 = arith.constant 0 : i32
    %dma_wait3A_321 = arith.constant 0 : i32
    %dma_wait3A_322 = tpu.memref_slice %arg2[%dma_wait3A_320, %dma_wait3A_321] : memref<8194x768xf32, #tpu.memory_space<hbm>> -> memref<8194x768xf32, #tpu.memory_space<hbm>>
    tpu.wait_indirect_dma semaphore(%arg7 : memref<!tpu.dma_semaphore, #tpu.memory_space<semaphore_mem>>) src(%dma_wait3A_322 : memref<8194x768xf32, #tpu.memory_space<hbm>>) dst(%arg4 : memref<64x768xf32, #tpu.memory_space<vmem>>)
    %add3A_323 = arith.constant 128 : i32
    %add3A_324 = arith.addi %mul3A_2, %add3A_323 : i32
    %dma_start3A_325 = arith.constant 0 : i32
    %dma_start3A_326 = arith.constant 0 : i32
    %dma_start3A_327 = tpu.memref_slice %arg3[%dma_start3A_325, %add3A_324, %dma_start3A_326] : memref<4x8192x768xf32, #tpu.memory_space<hbm>> -> memref<1x64x768xf32, #tpu.memory_space<hbm>>
    %dma_start3A_328 = tpu.memref_squeeze %dma_start3A_327 : memref<1x64x768xf32, #tpu.memory_space<hbm>> -> memref<64x768xf32, #tpu.memory_space<hbm>>
    %dma_start3A_329 = arith.constant 0 : i32
    %dma_start3A_330 = tpu.memref_slice %arg3[%dma_start3A_325, %add3A_324, %dma_start3A_329] : memref<4x8192x768xf32, #tpu.memory_space<hbm>> -> memref<1x64x768xf32, #tpu.memory_space<hbm>>
    %dma_start3A_331 = tpu.memref_squeeze %dma_start3A_330 : memref<1x64x768xf32, #tpu.memory_space<hbm>> -> memref<64x768xf32, #tpu.memory_space<hbm>>
    tpu.enqueue_dma source(%arg4 : memref<64x768xf32, #tpu.memory_space<vmem>>) target(%dma_start3A_331 : memref<64x768xf32, #tpu.memory_space<hbm>>) target_semaphore(%arg9 : memref<!tpu.dma_semaphore, #tpu.memory_space<semaphore_mem>>)
    %add3A_332 = arith.constant 128 : i32
    %add3A_333 = arith.addi %mul3A_2, %add3A_332 : i32
    %dma_start3A_334 = arith.constant 1 : i32
    %dma_start3A_335 = arith.constant 0 : i32
    %dma_start3A_336 = tpu.memref_slice %arg3[%dma_start3A_334, %add3A_333, %dma_start3A_335] : memref<4x8192x768xf32, #tpu.memory_space<hbm>> -> memref<1x64x768xf32, #tpu.memory_space<hbm>>
    %dma_start3A_337 = tpu.memref_squeeze %dma_start3A_336 : memref<1x64x768xf32, #tpu.memory_space<hbm>> -> memref<64x768xf32, #tpu.memory_space<hbm>>
    %dma_start3A_338 = arith.constant 0 : i32
    %dma_start3A_339 = tpu.memref_slice %arg3[%dma_start3A_334, %add3A_333, %dma_start3A_338] : memref<4x8192x768xf32, #tpu.memory_space<hbm>> -> memref<1x64x768xf32, #tpu.memory_space<hbm>>
    %dma_start3A_340 = tpu.memref_squeeze %dma_start3A_339 : memref<1x64x768xf32, #tpu.memory_space<hbm>> -> memref<64x768xf32, #tpu.memory_space<hbm>>
    tpu.enqueue_dma source(%arg4 : memref<64x768xf32, #tpu.memory_space<vmem>>) target(%dma_start3A_340 : memref<64x768xf32, #tpu.memory_space<hbm>>) target_semaphore(%arg9 : memref<!tpu.dma_semaphore, #tpu.memory_space<semaphore_mem>>)
    %add3A_341 = arith.constant 128 : i32
    %add3A_342 = arith.addi %mul3A_2, %add3A_341 : i32
    %dma_start3A_343 = arith.constant 2 : i32
    %dma_start3A_344 = arith.constant 0 : i32
    %dma_start3A_345 = tpu.memref_slice %arg3[%dma_start3A_343, %add3A_342, %dma_start3A_344] : memref<4x8192x768xf32, #tpu.memory_space<hbm>> -> memref<1x64x768xf32, #tpu.memory_space<hbm>>
    %dma_start3A_346 = tpu.memref_squeeze %dma_start3A_345 : memref<1x64x768xf32, #tpu.memory_space<hbm>> -> memref<64x768xf32, #tpu.memory_space<hbm>>
    %dma_start3A_347 = arith.constant 0 : i32
    %dma_start3A_348 = tpu.memref_slice %arg3[%dma_start3A_343, %add3A_342, %dma_start3A_347] : memref<4x8192x768xf32, #tpu.memory_space<hbm>> -> memref<1x64x768xf32, #tpu.memory_space<hbm>>
    %dma_start3A_349 = tpu.memref_squeeze %dma_start3A_348 : memref<1x64x768xf32, #tpu.memory_space<hbm>> -> memref<64x768xf32, #tpu.memory_space<hbm>>
    tpu.enqueue_dma source(%arg4 : memref<64x768xf32, #tpu.memory_space<vmem>>) target(%dma_start3A_349 : memref<64x768xf32, #tpu.memory_space<hbm>>) target_semaphore(%arg9 : memref<!tpu.dma_semaphore, #tpu.memory_space<semaphore_mem>>)
    %add3A_350 = arith.constant 128 : i32
    %add3A_351 = arith.addi %mul3A_2, %add3A_350 : i32
    %dma_start3A_352 = arith.constant 3 : i32
    %dma_start3A_353 = arith.constant 0 : i32
    %dma_start3A_354 = tpu.memref_slice %arg3[%dma_start3A_352, %add3A_351, %dma_start3A_353] : memref<4x8192x768xf32, #tpu.memory_space<hbm>> -> memref<1x64x768xf32, #tpu.memory_space<hbm>>
    %dma_start3A_355 = tpu.memref_squeeze %dma_start3A_354 : memref<1x64x768xf32, #tpu.memory_space<hbm>> -> memref<64x768xf32, #tpu.memory_space<hbm>>
    %dma_start3A_356 = arith.constant 0 : i32
    %dma_start3A_357 = tpu.memref_slice %arg3[%dma_start3A_352, %add3A_351, %dma_start3A_356] : memref<4x8192x768xf32, #tpu.memory_space<hbm>> -> memref<1x64x768xf32, #tpu.memory_space<hbm>>
    %dma_start3A_358 = tpu.memref_squeeze %dma_start3A_357 : memref<1x64x768xf32, #tpu.memory_space<hbm>> -> memref<64x768xf32, #tpu.memory_space<hbm>>
    tpu.enqueue_dma source(%arg4 : memref<64x768xf32, #tpu.memory_space<vmem>>) target(%dma_start3A_358 : memref<64x768xf32, #tpu.memory_space<hbm>>) target_semaphore(%arg9 : memref<!tpu.dma_semaphore, #tpu.memory_space<semaphore_mem>>)
    %dma_wait3A_359 = arith.constant 192 : i32
    %dma_wait3A_360 = tpu.memref_slice %arg6[%dma_wait3A_359] : memref<256xi32, #tpu.memory_space<vmem>> -> memref<64xi32, #tpu.memory_space<vmem>>
    %dma_wait3A_361 = arith.constant 0 : i32
    %dma_wait3A_362 = arith.constant 0 : i32
    %dma_wait3A_363 = tpu.memref_slice %arg2[%dma_wait3A_361, %dma_wait3A_362] : memref<8194x768xf32, #tpu.memory_space<hbm>> -> memref<8194x768xf32, #tpu.memory_space<hbm>>
    tpu.wait_indirect_dma semaphore(%arg8 : memref<!tpu.dma_semaphore, #tpu.memory_space<semaphore_mem>>) src(%dma_wait3A_363 : memref<8194x768xf32, #tpu.memory_space<hbm>>) dst(%arg5 : memref<64x768xf32, #tpu.memory_space<vmem>>)
    %add3A_364 = arith.constant 192 : i32
    %add3A_365 = arith.addi %mul3A_2, %add3A_364 : i32
    %dma_start3A_366 = arith.constant 0 : i32
    %dma_start3A_367 = arith.constant 0 : i32
    %dma_start3A_368 = tpu.memref_slice %arg3[%dma_start3A_366, %add3A_365, %dma_start3A_367] : memref<4x8192x768xf32, #tpu.memory_space<hbm>> -> memref<1x64x768xf32, #tpu.memory_space<hbm>>
    %dma_start3A_369 = tpu.memref_squeeze %dma_start3A_368 : memref<1x64x768xf32, #tpu.memory_space<hbm>> -> memref<64x768xf32, #tpu.memory_space<hbm>>
    %dma_start3A_370 = arith.constant 0 : i32
    %dma_start3A_371 = tpu.memref_slice %arg3[%dma_start3A_366, %add3A_365, %dma_start3A_370] : memref<4x8192x768xf32, #tpu.memory_space<hbm>> -> memref<1x64x768xf32, #tpu.memory_space<hbm>>
    %dma_start3A_372 = tpu.memref_squeeze %dma_start3A_371 : memref<1x64x768xf32, #tpu.memory_space<hbm>> -> memref<64x768xf32, #tpu.memory_space<hbm>>
    tpu.enqueue_dma source(%arg5 : memref<64x768xf32, #tpu.memory_space<vmem>>) target(%dma_start3A_372 : memref<64x768xf32, #tpu.memory_space<hbm>>) target_semaphore(%arg10 : memref<!tpu.dma_semaphore, #tpu.memory_space<semaphore_mem>>)
    %add3A_373 = arith.constant 192 : i32
    %add3A_374 = arith.addi %mul3A_2, %add3A_373 : i32
    %dma_start3A_375 = arith.constant 1 : i32
    %dma_start3A_376 = arith.constant 0 : i32
    %dma_start3A_377 = tpu.memref_slice %arg3[%dma_start3A_375, %add3A_374, %dma_start3A_376] : memref<4x8192x768xf32, #tpu.memory_space<hbm>> -> memref<1x64x768xf32, #tpu.memory_space<hbm>>
    %dma_start3A_378 = tpu.memref_squeeze %dma_start3A_377 : memref<1x64x768xf32, #tpu.memory_space<hbm>> -> memref<64x768xf32, #tpu.memory_space<hbm>>
    %dma_start3A_379 = arith.constant 0 : i32
    %dma_start3A_380 = tpu.memref_slice %arg3[%dma_start3A_375, %add3A_374, %dma_start3A_379] : memref<4x8192x768xf32, #tpu.memory_space<hbm>> -> memref<1x64x768xf32, #tpu.memory_space<hbm>>
    %dma_start3A_381 = tpu.memref_squeeze %dma_start3A_380 : memref<1x64x768xf32, #tpu.memory_space<hbm>> -> memref<64x768xf32, #tpu.memory_space<hbm>>
    tpu.enqueue_dma source(%arg5 : memref<64x768xf32, #tpu.memory_space<vmem>>) target(%dma_start3A_381 : memref<64x768xf32, #tpu.memory_space<hbm>>) target_semaphore(%arg10 : memref<!tpu.dma_semaphore, #tpu.memory_space<semaphore_mem>>)
    %add3A_382 = arith.constant 192 : i32
    %add3A_383 = arith.addi %mul3A_2, %add3A_382 : i32
    %dma_start3A_384 = arith.constant 2 : i32
    %dma_start3A_385 = arith.constant 0 : i32
    %dma_start3A_386 = tpu.memref_slice %arg3[%dma_start3A_384, %add3A_383, %dma_start3A_385] : memref<4x8192x768xf32, #tpu.memory_space<hbm>> -> memref<1x64x768xf32, #tpu.memory_space<hbm>>
    %dma_start3A_387 = tpu.memref_squeeze %dma_start3A_386 : memref<1x64x768xf32, #tpu.memory_space<hbm>> -> memref<64x768xf32, #tpu.memory_space<hbm>>
    %dma_start3A_388 = arith.constant 0 : i32
    %dma_start3A_389 = tpu.memref_slice %arg3[%dma_start3A_384, %add3A_383, %dma_start3A_388] : memref<4x8192x768xf32, #tpu.memory_space<hbm>> -> memref<1x64x768xf32, #tpu.memory_space<hbm>>
    %dma_start3A_390 = tpu.memref_squeeze %dma_start3A_389 : memref<1x64x768xf32, #tpu.memory_space<hbm>> -> memref<64x768xf32, #tpu.memory_space<hbm>>
    tpu.enqueue_dma source(%arg5 : memref<64x768xf32, #tpu.memory_space<vmem>>) target(%dma_start3A_390 : memref<64x768xf32, #tpu.memory_space<hbm>>) target_semaphore(%arg10 : memref<!tpu.dma_semaphore, #tpu.memory_space<semaphore_mem>>)
    %add3A_391 = arith.constant 192 : i32
    %add3A_392 = arith.addi %mul3A_2, %add3A_391 : i32
    %dma_start3A_393 = arith.constant 3 : i32
    %dma_start3A_394 = arith.constant 0 : i32
    %dma_start3A_395 = tpu.memref_slice %arg3[%dma_start3A_393, %add3A_392, %dma_start3A_394] : memref<4x8192x768xf32, #tpu.memory_space<hbm>> -> memref<1x64x768xf32, #tpu.memory_space<hbm>>
    %dma_start3A_396 = tpu.memref_squeeze %dma_start3A_395 : memref<1x64x768xf32, #tpu.memory_space<hbm>> -> memref<64x768xf32, #tpu.memory_space<hbm>>
    %dma_start3A_397 = arith.constant 0 : i32
    %dma_start3A_398 = tpu.memref_slice %arg3[%dma_start3A_393, %add3A_392, %dma_start3A_397] : memref<4x8192x768xf32, #tpu.memory_space<hbm>> -> memref<1x64x768xf32, #tpu.memory_space<hbm>>
    %dma_start3A_399 = tpu.memref_squeeze %dma_start3A_398 : memref<1x64x768xf32, #tpu.memory_space<hbm>> -> memref<64x768xf32, #tpu.memory_space<hbm>>
    tpu.enqueue_dma source(%arg5 : memref<64x768xf32, #tpu.memory_space<vmem>>) target(%dma_start3A_399 : memref<64x768xf32, #tpu.memory_space<hbm>>) target_semaphore(%arg10 : memref<!tpu.dma_semaphore, #tpu.memory_space<semaphore_mem>>)
    %dma_wait3A_400 = arith.constant 0 : i32
    %dma_wait3A_401 = arith.constant 0 : i32
    %dma_wait3A_402 = tpu.memref_slice %arg3[%dma_wait3A_400, %add3A_324, %dma_wait3A_401] : memref<4x8192x768xf32, #tpu.memory_space<hbm>> -> memref<1x64x768xf32, #tpu.memory_space<hbm>>
    %dma_wait3A_403 = tpu.memref_squeeze %dma_wait3A_402 : memref<1x64x768xf32, #tpu.memory_space<hbm>> -> memref<64x768xf32, #tpu.memory_space<hbm>>
    %dma_wait3A_404 = arith.constant 0 : i32
    %dma_wait3A_405 = tpu.memref_slice %arg3[%dma_wait3A_400, %add3A_324, %dma_wait3A_404] : memref<4x8192x768xf32, #tpu.memory_space<hbm>> -> memref<1x64x768xf32, #tpu.memory_space<hbm>>
    %dma_wait3A_406 = tpu.memref_squeeze %dma_wait3A_405 : memref<1x64x768xf32, #tpu.memory_space<hbm>> -> memref<64x768xf32, #tpu.memory_space<hbm>>
    tpu.wait_dma2 semaphore(%arg9 : memref<!tpu.dma_semaphore, #tpu.memory_space<semaphore_mem>>) src(%arg4 : memref<64x768xf32, #tpu.memory_space<vmem>>) dst(%dma_wait3A_406 : memref<64x768xf32, #tpu.memory_space<hbm>>)
    %dma_wait3A_407 = arith.constant 1 : i32
    %dma_wait3A_408 = arith.constant 0 : i32
    %dma_wait3A_409 = tpu.memref_slice %arg3[%dma_wait3A_407, %add3A_333, %dma_wait3A_408] : memref<4x8192x768xf32, #tpu.memory_space<hbm>> -> memref<1x64x768xf32, #tpu.memory_space<hbm>>
    %dma_wait3A_410 = tpu.memref_squeeze %dma_wait3A_409 : memref<1x64x768xf32, #tpu.memory_space<hbm>> -> memref<64x768xf32, #tpu.memory_space<hbm>>
    %dma_wait3A_411 = arith.constant 0 : i32
    %dma_wait3A_412 = tpu.memref_slice %arg3[%dma_wait3A_407, %add3A_333, %dma_wait3A_411] : memref<4x8192x768xf32, #tpu.memory_space<hbm>> -> memref<1x64x768xf32, #tpu.memory_space<hbm>>
    %dma_wait3A_413 = tpu.memref_squeeze %dma_wait3A_412 : memref<1x64x768xf32, #tpu.memory_space<hbm>> -> memref<64x768xf32, #tpu.memory_space<hbm>>
    tpu.wait_dma2 semaphore(%arg9 : memref<!tpu.dma_semaphore, #tpu.memory_space<semaphore_mem>>) src(%arg4 : memref<64x768xf32, #tpu.memory_space<vmem>>) dst(%dma_wait3A_413 : memref<64x768xf32, #tpu.memory_space<hbm>>)
    %dma_wait3A_414 = arith.constant 2 : i32
    %dma_wait3A_415 = arith.constant 0 : i32
    %dma_wait3A_416 = tpu.memref_slice %arg3[%dma_wait3A_414, %add3A_342, %dma_wait3A_415] : memref<4x8192x768xf32, #tpu.memory_space<hbm>> -> memref<1x64x768xf32, #tpu.memory_space<hbm>>
    %dma_wait3A_417 = tpu.memref_squeeze %dma_wait3A_416 : memref<1x64x768xf32, #tpu.memory_space<hbm>> -> memref<64x768xf32, #tpu.memory_space<hbm>>
    %dma_wait3A_418 = arith.constant 0 : i32
    %dma_wait3A_419 = tpu.memref_slice %arg3[%dma_wait3A_414, %add3A_342, %dma_wait3A_418] : memref<4x8192x768xf32, #tpu.memory_space<hbm>> -> memref<1x64x768xf32, #tpu.memory_space<hbm>>
    %dma_wait3A_420 = tpu.memref_squeeze %dma_wait3A_419 : memref<1x64x768xf32, #tpu.memory_space<hbm>> -> memref<64x768xf32, #tpu.memory_space<hbm>>
    tpu.wait_dma2 semaphore(%arg9 : memref<!tpu.dma_semaphore, #tpu.memory_space<semaphore_mem>>) src(%arg4 : memref<64x768xf32, #tpu.memory_space<vmem>>) dst(%dma_wait3A_420 : memref<64x768xf32, #tpu.memory_space<hbm>>)
    %dma_wait3A_421 = arith.constant 3 : i32
    %dma_wait3A_422 = arith.constant 0 : i32
    %dma_wait3A_423 = tpu.memref_slice %arg3[%dma_wait3A_421, %add3A_351, %dma_wait3A_422] : memref<4x8192x768xf32, #tpu.memory_space<hbm>> -> memref<1x64x768xf32, #tpu.memory_space<hbm>>
    %dma_wait3A_424 = tpu.memref_squeeze %dma_wait3A_423 : memref<1x64x768xf32, #tpu.memory_space<hbm>> -> memref<64x768xf32, #tpu.memory_space<hbm>>
    %dma_wait3A_425 = arith.constant 0 : i32
    %dma_wait3A_426 = tpu.memref_slice %arg3[%dma_wait3A_421, %add3A_351, %dma_wait3A_425] : memref<4x8192x768xf32, #tpu.memory_space<hbm>> -> memref<1x64x768xf32, #tpu.memory_space<hbm>>
    %dma_wait3A_427 = tpu.memref_squeeze %dma_wait3A_426 : memref<1x64x768xf32, #tpu.memory_space<hbm>> -> memref<64x768xf32, #tpu.memory_space<hbm>>
    tpu.wait_dma2 semaphore(%arg9 : memref<!tpu.dma_semaphore, #tpu.memory_space<semaphore_mem>>) src(%arg4 : memref<64x768xf32, #tpu.memory_space<vmem>>) dst(%dma_wait3A_427 : memref<64x768xf32, #tpu.memory_space<hbm>>)
    %dma_wait3A_428 = arith.constant 0 : i32
    %dma_wait3A_429 = arith.constant 0 : i32
    %dma_wait3A_430 = tpu.memref_slice %arg3[%dma_wait3A_428, %add3A_365, %dma_wait3A_429] : memref<4x8192x768xf32, #tpu.memory_space<hbm>> -> memref<1x64x768xf32, #tpu.memory_space<hbm>>
    %dma_wait3A_431 = tpu.memref_squeeze %dma_wait3A_430 : memref<1x64x768xf32, #tpu.memory_space<hbm>> -> memref<64x768xf32, #tpu.memory_space<hbm>>
    %dma_wait3A_432 = arith.constant 0 : i32
    %dma_wait3A_433 = tpu.memref_slice %arg3[%dma_wait3A_428, %add3A_365, %dma_wait3A_432] : memref<4x8192x768xf32, #tpu.memory_space<hbm>> -> memref<1x64x768xf32, #tpu.memory_space<hbm>>
    %dma_wait3A_434 = tpu.memref_squeeze %dma_wait3A_433 : memref<1x64x768xf32, #tpu.memory_space<hbm>> -> memref<64x768xf32, #tpu.memory_space<hbm>>
    tpu.wait_dma2 semaphore(%arg10 : memref<!tpu.dma_semaphore, #tpu.memory_space<semaphore_mem>>) src(%arg5 : memref<64x768xf32, #tpu.memory_space<vmem>>) dst(%dma_wait3A_434 : memref<64x768xf32, #tpu.memory_space<hbm>>)
    %dma_wait3A_435 = arith.constant 1 : i32
    %dma_wait3A_436 = arith.constant 0 : i32
    %dma_wait3A_437 = tpu.memref_slice %arg3[%dma_wait3A_435, %add3A_374, %dma_wait3A_436] : memref<4x8192x768xf32, #tpu.memory_space<hbm>> -> memref<1x64x768xf32, #tpu.memory_space<hbm>>
    %dma_wait3A_438 = tpu.memref_squeeze %dma_wait3A_437 : memref<1x64x768xf32, #tpu.memory_space<hbm>> -> memref<64x768xf32, #tpu.memory_space<hbm>>
    %dma_wait3A_439 = arith.constant 0 : i32
    %dma_wait3A_440 = tpu.memref_slice %arg3[%dma_wait3A_435, %add3A_374, %dma_wait3A_439] : memref<4x8192x768xf32, #tpu.memory_space<hbm>> -> memref<1x64x768xf32, #tpu.memory_space<hbm>>
    %dma_wait3A_441 = tpu.memref_squeeze %dma_wait3A_440 : memref<1x64x768xf32, #tpu.memory_space<hbm>> -> memref<64x768xf32, #tpu.memory_space<hbm>>
    tpu.wait_dma2 semaphore(%arg10 : memref<!tpu.dma_semaphore, #tpu.memory_space<semaphore_mem>>) src(%arg5 : memref<64x768xf32, #tpu.memory_space<vmem>>) dst(%dma_wait3A_441 : memref<64x768xf32, #tpu.memory_space<hbm>>)
    %dma_wait3A_442 = arith.constant 2 : i32
    %dma_wait3A_443 = arith.constant 0 : i32
    %dma_wait3A_444 = tpu.memref_slice %arg3[%dma_wait3A_442, %add3A_383, %dma_wait3A_443] : memref<4x8192x768xf32, #tpu.memory_space<hbm>> -> memref<1x64x768xf32, #tpu.memory_space<hbm>>
    %dma_wait3A_445 = tpu.memref_squeeze %dma_wait3A_444 : memref<1x64x768xf32, #tpu.memory_space<hbm>> -> memref<64x768xf32, #tpu.memory_space<hbm>>
    %dma_wait3A_446 = arith.constant 0 : i32
    %dma_wait3A_447 = tpu.memref_slice %arg3[%dma_wait3A_442, %add3A_383, %dma_wait3A_446] : memref<4x8192x768xf32, #tpu.memory_space<hbm>> -> memref<1x64x768xf32, #tpu.memory_space<hbm>>
    %dma_wait3A_448 = tpu.memref_squeeze %dma_wait3A_447 : memref<1x64x768xf32, #tpu.memory_space<hbm>> -> memref<64x768xf32, #tpu.memory_space<hbm>>
    tpu.wait_dma2 semaphore(%arg10 : memref<!tpu.dma_semaphore, #tpu.memory_space<semaphore_mem>>) src(%arg5 : memref<64x768xf32, #tpu.memory_space<vmem>>) dst(%dma_wait3A_448 : memref<64x768xf32, #tpu.memory_space<hbm>>)
    %dma_wait3A_449 = arith.constant 3 : i32
    %dma_wait3A_450 = arith.constant 0 : i32
    %dma_wait3A_451 = tpu.memref_slice %arg3[%dma_wait3A_449, %add3A_392, %dma_wait3A_450] : memref<4x8192x768xf32, #tpu.memory_space<hbm>> -> memref<1x64x768xf32, #tpu.memory_space<hbm>>
    %dma_wait3A_452 = tpu.memref_squeeze %dma_wait3A_451 : memref<1x64x768xf32, #tpu.memory_space<hbm>> -> memref<64x768xf32, #tpu.memory_space<hbm>>
    %dma_wait3A_453 = arith.constant 0 : i32
    %dma_wait3A_454 = tpu.memref_slice %arg3[%dma_wait3A_449, %add3A_392, %dma_wait3A_453] : memref<4x8192x768xf32, #tpu.memory_space<hbm>> -> memref<1x64x768xf32, #tpu.memory_space<hbm>>
    %dma_wait3A_455 = tpu.memref_squeeze %dma_wait3A_454 : memref<1x64x768xf32, #tpu.memory_space<hbm>> -> memref<64x768xf32, #tpu.memory_space<hbm>>
    tpu.wait_dma2 semaphore(%arg10 : memref<!tpu.dma_semaphore, #tpu.memory_space<semaphore_mem>>) src(%arg5 : memref<64x768xf32, #tpu.memory_space<vmem>>) dst(%dma_wait3A_455 : memref<64x768xf32, #tpu.memory_space<hbm>>)
    return
  }
}

</mosaic_0001>

<sc_bundles>
// kernel: kernel.3.cloned.1.call-start
scs
__scs_entry_jumppad:
0x0: {  	(pc) =	sbr.rel $0x88, $3  }
0x1: {  	(tag) =	ssettag $0x0;
	lr =	simm.s32 $0x1  }
0x2: {  	[smem:$0x3FA0] =	sst lr;
	_ =	strace $0xD0000000  }
0x3: {  	_ = 	snop  }
0x4: {  	_ = 	snop  }
0x5: {  	_ = 	snop  }
0x6: {  	_ = 	snop  }
0x7: {  	_ = 	snop  }
__scs_overlays_trampoline_lowered:
0x8: {  	[smem:$0x3FAF] =	sst s0  }
0x9: {  	[smem:$0x3FB0] =	sst s1  }
0xa: {  	[smem:$0x3FB1] =	sst s2  }
0xb: {  	[smem:$0x3FB2] =	sst s3  }
0xc: {  	[smem:$0x3FB3] =	sst s4  }
0xd: {  	[smem:$0x3FB4] =	sst s5  }
0xe: {  	[smem:$0x3FB5] =	sst s6  }
0xf: {  	[smem:$0x3FB6] =	sst s7  }
0x10: {  	[smem:$0x3FB7] =	sst s8  }
0x11: {  	[smem:$0x3FB8] =	sst s9;
	s0 =	simm.s32 @!p0 $0x0  }
0x12: {  	s1 =	sld [smem:$0x3F9E];
	s0 =	simm.s32 @p0 $0x1  }
0x13: {  	[smem:$0x3FB9] =	sst s0;
	s0 =	simm.s32 @!p1 $0x0  }
0x14: {  	s2 =	sld [smem:$0x3F9D];
	s0 =	simm.s32 @p1 $0x1  }
0x15: {  	[smem:$0x3FBA] =	sst s0;
	s0 =	simm.s32 @!p2 $0x0  }
0x16: {  	s3 =	sld [smem:$0x3FDB];
	s0 =	simm.s32 @p2 $0x1  }
0x17: {  	s4 =	simm.s32 $0x1BF5;
	[smem:$0x3FBC] =	sst s0  }
0x18: {  	s0 =	sld [smem:$0x3F9F];
	_ =	swait.ge [sflag:s4], $0x0  }
0x19: {  	s7 =	sld [smem:$0x3FA0]  }
0x1a: {  	s8 =	sadd.s32 $0xFFFFE003, lr  }
0x1b: {  	s9 =	sadd.s32 $0xFFFFFEF7, lr;
	s5 =	simm.s32 $0xFFFFFFFF;
	p2 =	slt.u32 s8, $0xFFFFF086  }
0x1c: {  	p1 =	slt.u32 s9, $0xF7A;
	s5 =	simm.s32 @!p2 $0x0  }
0x1d: {  	s5 =	simm.s32 @p1 $0x1;
	p0 =	seq.s32 s7, s2  }
0x1e: {  	s7 =	smul.u32 @!p0 $0xF7A, s2;
	p2 =	seq.s32 @!p0 s5, $0x0  }
0x1f: {  	s9 =	smul.u32 $0xF7A, s1;
	s8 =	simm.s32 @!p0 $0x1BF5;
	p2 =	por !p2, p0  }
0x20: {  	[sflag:s8] =	ssyncset.s32 @!p0 $0xFFFFF086;
	s6 =	sadd.s32 @!p0 s3, s7;
	s7 =	simm.s32 @!p0 $0x108  }
0x21: {  	s3 =	sadd.s32 s3, s9;
	s6 =	sadd.s32 @!p0 $0x88, s6;
	s7 =	simm.s32 @p2 $0x1082  }
0x22: {  	[simem:s7], [sflag:s8] =	dma.local @!p0 [hbm:s6], $0xF7A  }
0x23: {  	s9 =	sor.u32 $0xD0000000, s2;
	s6 =	simm.s32 $0x108;
	_ =	swait.ge @!p0 [sflag:s8], $0x0  }
0x24: {  	s3 =	sadd.s32 $0x88, s3;
	s6 =	simm.s32 @!p1 $0x1082;
	[sflag:s4] =	ssyncset.s32 $0xFFFFF086  }
0x25: {  	[simem:s6], [sflag:s4] =	dma.local [hbm:s3], $0xF7A  }
0x26: {  	[smem:$0x3FA0] =	sst s1;
	(tag) =	ssettag s2;
	_ =	strace s9  }
0x27: {  	s1 =	sld [smem:$0x3FB0]  }
0x28: {  	s2 =	sld [smem:$0x3FB1]  }
0x29: {  	s4 =	sld [smem:$0x3FB3]  }
0x2a: {  	p0 =	seq.s32 s5, $0x0;
	s5 =	sld [smem:$0x3FB4]  }
0x2b: {  	s6 =	sld [smem:$0x3FB5]  }
0x2c: {  	s7 =	sld [smem:$0x3FB6]  }
0x2d: {  	s3 =	simm.s32 $0x108;
	s8 =	sld [smem:$0x3FB7]  }
0x2e: {  	s3 =	simm.s32 @!p0 $0x1082;
	s9 =	sld [smem:$0x3FB8]  }
0x2f: {  	lr =	sadd.s32 s0, s3;
	s0 =	sld [smem:$0x3FAF]  }
0x30: {  	s3 =	sld [smem:$0x3FB2]  }
0x31: {  	[smem:$0x3FBB] =	sst s10  }
0x32: {  	s10 =	sld [smem:$0x3FB9];
	_ =	sdelay $0x3  }
0x33: {  	p0 =	seq.s32 s10, $0x1;
	s10 =	sld [smem:$0x3FBB];
	_ =	sdelay $0x3  }
0x34: {  	[smem:$0x3FBB] =	sst s10  }
0x35: {  	s10 =	sld [smem:$0x3FBA];
	_ =	sdelay $0x3  }
0x36: {  	p1 =	seq.s32 s10, $0x1;
	s10 =	sld [smem:$0x3FBB];
	_ =	sdelay $0x3  }
0x37: {  	[smem:$0x3FBB] =	sst s10  }
0x38: {  	s10 =	sld [smem:$0x3FBC]  }
0x39: {  	_ = 	snop;
	(pc) =	sbr.ind lr, $3  }
0x3a: {  	_ = 	snop  }
0x3b: {  	_ = 	snop  }
0x3c: {  	p2 =	seq.s32 s10, $0x1;
	s10 =	sld [smem:$0x3FBB]  }
0x3d: {  	_ =	shalt  }
0x3e: {  	_ =	shalt  }
0x3f: {  	_ =	shalt  }
0x40: {  	_ =	shalt  }
0x41: {  	_ =	shalt  }
0x42: {  	_ =	shalt  }
0x43: {  	_ =	shalt  }
0x44: {  	_ =	shalt  }
0x45: {  	_ =	shalt  }
0x46: {  	_ =	shalt  }
0x47: {  	_ =	shalt  }
0x48: {  	_ =	shalt  }
0x49: {  	_ =	shalt  }
0x4a: {  	_ =	shalt  }
0x4b: {  	_ =	shalt  }
0x4c: {  	_ =	shalt  }
0x4d: {  	_ =	shalt  }
0x4e: {  	_ =	shalt  }
0x4f: {  	_ =	shalt  }
0x50: {  	_ =	shalt  }
0x51: {  	_ =	shalt  }
0x52: {  	_ =	shalt  }
0x53: {  	_ =	shalt  }
0x54: {  	_ =	shalt  }
0x55: {  	_ =	shalt  }
0x56: {  	_ =	shalt  }
0x57: {  	_ =	shalt  }
0x58: {  	_ =	shalt  }
0x59: {  	_ =	shalt  }
0x5a: {  	_ =	shalt  }
0x5b: {  	_ =	shalt  }
0x5c: {  	_ =	shalt  }
0x5d: {  	_ =	shalt  }
0x5e: {  	_ =	shalt  }
0x5f: {  	_ =	shalt  }
0x60: {  	_ =	shalt  }
0x61: {  	_ =	shalt  }
0x62: {  	_ =	shalt  }
0x63: {  	_ =	shalt  }
0x64: {  	_ =	shalt  }
0x65: {  	_ =	shalt  }
0x66: {  	_ =	shalt  }
0x67: {  	_ =	shalt  }
0x68: {  	_ =	shalt  }
0x69: {  	_ =	shalt  }
0x6a: {  	_ =	shalt  }
0x6b: {  	_ =	shalt  }
0x6c: {  	_ =	shalt  }
0x6d: {  	_ =	shalt  }
0x6e: {  	_ =	shalt  }
0x6f: {  	_ =	shalt  }
0x70: {  	_ =	shalt  }
0x71: {  	_ =	shalt  }
0x72: {  	_ =	shalt  }
0x73: {  	_ =	shalt  }
0x74: {  	_ =	shalt  }
0x75: {  	_ =	shalt  }
0x76: {  	_ =	shalt  }
0x77: {  	_ =	shalt  }
0x78: {  	_ =	shalt  }
0x79: {  	_ =	shalt  }
0x7a: {  	_ =	shalt  }
0x7b: {  	_ =	shalt  }
0x7c: {  	_ =	shalt  }
0x7d: {  	_ =	shalt  }
0x7e: {  	_ =	shalt  }
0x7f: {  	_ =	shalt  }
0x80: {  	_ =	shalt  }
0x81: {  	_ =	shalt  }
0x82: {  	_ =	shalt  }
0x83: {  	_ =	shalt  }
0x84: {  	_ =	shalt  }
0x85: {  	_ =	shalt  }
0x86: {  	_ =	shalt  }
0x87: {  	_ =	shalt  }
.Lfunc_end0:
.L_simem_size_0:
called_computation_lowered:
.L_overlay_start_0:
0x88: {  	s2 =	sld [smem:$0x3FD9]  }
0x89: {  	s3 =	sld [smem:$0x3FFE];
	_ =	sdelay $0x1  }
0x8a: {  	s1 =	srdreg.scid  }
0x8b: {  	s0 =	sand.u32 $0x1, s1  }
0x8c: {  	s18 =	sshll.u32 s0, $0xA;
	s2 =	sadd.s32 s3, s2  }
0x8d: {  	s2 =	sadd.s32 s2, s18  }
0x8e: {  	[smem:$0x3FC7] =	sst s2  }
0x8f: {  	_ = 	snop  }
0x90: {  	s2 =	sld [smem:$0x3FC9]  }
0x91: {  	s19 =	sld [smem:$0x3FD0];
	(tm) =	ssettm $0x1  }
0x92: {  	s4 =	sld [smem:$0x3FFB];
	_ =	sdelay $0x3  }
0x93: {  	_ =	strace s4  }
0x94: {  	s4 =	sld [smem:$0x3FFC];
	_ =	sdelay $0x3  }
0x95: {  	_ =	strace s4  }
0x96: {  	s4 =	sld [smem:$0x3FFD];
	_ =	sdelay $0x3  }
0x97: {  	_ =	strace s4  }
0x98: {  	_ =	strace $0x8FFFFFFF  }
0x99: {  	s20 =	sld [smem:$0x3FDB];
	_ =	sdelay $0x1  }
0x9a: {  	s5 =	simm.s32 $_scs_section_size  }
0x9b: {  	s6 =	simm.s32 $_size__tile_overlayer_lowered;
	s7 =	simm.s32 $_tile_overlayer_lowered  }
0x9c: {  	s23 =	simm.s32 $0x1BFF;
	s22 =	sshll.u32 s7, $0x1;
	s4 =	sadd.s32 s5, s20  }
0x9d: {  	s8 =	simm.s32 $0x0;
	s21 =	sshll.u32 s6, $0x1;
	s6 =	sadd.s32 s22, s4  }
0x9e: {  	[timem:s8], [sflag:s23] =	dma.local [hbm:s6], s21  }
0x9f: {  	_ =	swait.ge [sflag:s23], s21  }
0xa0: {  	s5 =	ssub.s32 $0x0, s21;
	[sflag:s23] =	ssyncset.done $0x0  }
0xa1: {  	[sflag:s23] =	ssyncadd.s32 s5;
	_ =	sdelay $0x1  }
0xa2: {  	s24 =	simm.s32 $0x1B8B  }
0xa3: {  	_ =	swait.ge [sflag:s24], $0x1  }
0xa4: {  	[sflag:s24] =	ssyncset.done $0x0  }
0xa5: {  	s25 =	simm.s32 $0x1B8E;
	[sflag:s24] =	ssyncadd.s32 $0xFFFFFFFF  }
0xa6: {  	s26 =	simm.s32 $execute0_lowered;
	[smem:$0x3FD2] =	sst s25  }
0xa7: {  	s5 =	sshll.u32 s26, $0x1;
	_ =	strace $0x80000046;
	[dreg:$0x1] =	wrdreg $0xFFFFFFFF  }
0xa8: {  	s28 =	simm.s32 $_size_execute0_lowered;
	s4 =	sadd.s32 s4, s5;
	[dreg:$0x0] =	wrdreg $0x0  }
0xa9: {  	s5 =	sshll.u32 s28, $0x1;
	[dreg:$0x2] =	wrdreg s4  }
0xaa: {  	[dreg:$0x3] =	wrdreg s5  }
0xab: {  	[dreg:$0x4] =	wrdreg $0xC0  }
0xac: {  	_ =	task [dreg:s8], $0x5FFFF  }
0xad: {  	[dreg:$0x1] =	wrdreg $0xFFFFFFFF  }
0xae: {  	[dreg:$0x0] =	wrdreg $0x60  }
0xaf: {  	[dreg:$0x2] =	wrdreg s2  }
0xb0: {  	[dreg:$0x3] =	wrdreg s19  }
0xb1: {  	[dreg:$0x4] =	wrdreg $0x9  }
0xb2: {  	_ =	task.clear_ibuf [dreg:s8], $0x5FFFF;
	_ =	strace $0x90000046  }
0xb3: {  	s29 =	simm.s32 $0x9;
	_ =	strace $0x80000048  }
0xb4: {  	_ =	swait.ge [sflag:s29], $0x1  }
0xb5: {  	[sflag:s29] =	ssyncadd.s32 $0xFFFFFFFF  }
0xb6: {  	_ =	strace $0x90000048  }
0xb7: {  	_ =	sfence  }
0xb8: {  	s30 =	sld [smem:$0x0];
	_ =	sdelay $0x2  }
0xb9: {  	s31 =	sshll.u32 s1, $0xD;
	s1 =	sshrl.u32 s1, $0x2  }
0xba: {  	s3 =	sand.u32 $0x4000, s31;
	s1 =	sadd.s32 s1, s30  }
0xbb: {  	s0 =	sor.u32 s3, s0;
	s1 =	sshll.u32 s1, $0x11  }
0xbc: {  	s0 =	sor.u32 s1, s0  }
0xbd: {  	s0 =	sadd.s32 $0x8F2B, s0  }
0xbe: {  	[sflag:s0] =	ssyncadd.remote.s32 $0x1  }
0xbf: {  	_ =	sfence.sel $0xFFFF  }
0xc0: {  	[dreg:$0x0] =	wrdreg $0xFFFFFFFF;
	(pc) =	sbr.abs _section_cstart, $3  }
0xc1: {  	[dreg:$0x1] =	wrdreg $0xFFFFFFFF  }
0xc2: {  	_ =	task.clear_ibuf [dreg:s8], $0x2FFFF;
	_ =	strace $0x9FFFFFFF  }
0xc3: {  	(tm) =	ssettm $0x7FFFFFFF  }
tec
execute0_lowered:
.L_overlay_start_1:
0x0: {  	(tag) =	ssettag $0x1  }
0x1: {  	s0 =	srdreg.scid  }
0x2: {  	s1 =	stileid.u32;
	s2 =	rddreg [dreg:$0x0]  }
0x3: {  	s4 =	rddreg [dreg:$0x1];
	s28 =	simm.s32 $0x8000;
	s29 =	simm.s32 $0x8800  }
0x4: {  	s30 =	simm.s32 $0x9000;
	s31 =	simm.s32 $0xA000;
	s0 =	sand.u32 $0x1, s0  }
0x5: {  	s1 =	sshll.u32 s1, $0x9;
	s3 =	sshll.u32 s0, $0x8;
	s0 =	ssub.s32 $0x2, s0  }
0x6: {  	s5 =	sor.u32 s3, s1;
	s3 =	simm.s32 $0x0;
	s6 =	sshrl.u32 s0, $0x1  }
0x7: {  	s1 =	sshrl.u32 s5, $0x3;
	[smem:$0x7FF] =	sst s3;
	s22 =	ssub.s32 s0, s6  }
0x8: {  	s14 =	sor.u32 $0x12, s5;
	s10 =	sor.u32 $0x22, s5;
	s1 =	smul.u32 $0x1800, s1  }
0x9: {  	s11 =	sor.u32 $0x32, s5;
	s15 =	sor.u32 $0x42, s5;
	s12 =	sor.u32 $0x52, s5  }
0xa: {  	s17 =	sor.u32 $0x62, s5;
	s13 =	sor.u32 $0x72, s5;
	s7 =	sshrl.u32 s1, $0x3  }
0xb: {  	s18 =	sor.u32 $0x82, s5;
	s16 =	sor.u32 $0x92, s5;
	s4 =	sadd.s32 s4, s7  }
0xc: {  	_ =	strace $0x80000047;
	s19 =	sadd.s32 $0xC0000, s4;
	[dreg:$0x12] =	wrdreg s4  }
0xd: {  	v18 =	vlaneseq.u32;
	s0 =	simm.s32 $0x3;
	s20 =	sadd.s32 $0x180000, s4;
	[dreg:$0x3] =	wrdreg s19  }
0xe: {  	v5 =	vadd.s32 s12, v18;
	s12 =	simm.s32 $0x800;
	s21 =	sadd.s32 $0x240000, s4;
	[dreg:$0x4] =	wrdreg s20  }
0xf: {  	v7 =	vadd.s32 s13, v18;
	s13 =	simm.s32 $0x1000;
	s23 =	sadd.s32 $0x1800, s4;
	[dreg:$0x5] =	wrdreg s21  }
0x10: {  	v1 =	vadd.s32 s14, v18;
	s14 =	simm.s32 $0x1800;
	s24 =	sadd.s32 $0xC1800, s4;
	[dreg:$0x6] =	wrdreg s23  }
0x11: {  	v4 =	vadd.s32 s15, v18;
	s15 =	simm.s32 $0x2000;
	s25 =	sadd.s32 $0x181800, s4;
	[dreg:$0x7] =	wrdreg s24  }
0x12: {  	v6 =	vadd.s32 s17, v18;
	s17 =	simm.s32 $0x3000;
	s26 =	sadd.s32 $0x241800, s4;
	[dreg:$0x8] =	wrdreg s25  }
0x13: {  	v8 =	vadd.s32 s18, v18;
	s18 =	simm.s32 $0x3800;
	s6 =	sadd.s32 $0x3000, s4;
	[dreg:$0x9] =	wrdreg s26  }
0x14: {  	s1 =	sor.u32 $0x2, s5;
	s7 =	sadd.s32 $0xC3000, s4;
	[dreg:$0xa] =	wrdreg s6  }
0x15: {  	s8 =	sadd.s32 $0x183000, s4;
	s9 =	sadd.s32 $0x243000, s4;
	[dreg:$0xb] =	wrdreg s7  }
0x16: {  	s20 =	sor.u32 $0xA2, s5;
	s19 =	sor.u32 $0xB2, s5;
	[dreg:$0xc] =	wrdreg s8  }
0x17: {  	s21 =	sor.u32 $0xC2, s5;
	s23 =	sor.u32 $0xD2, s5;
	[dreg:$0xd] =	wrdreg s9  }
0x18: {  	v15 =	vshrl.u32 v18, $0x3;
	v0 =	vadd.s32 s1, v18;
	s24 =	sadd.s32 $0x4800, s4;
	s8 =	sor.u32 $0xE2, s5;
	s25 =	sadd.s32 $0xC4800, s4  }
0x19: {  	vm0 =	vmmov $0xffff;
	v15 =	vmul.u32 $0x8, v15;
	v9 =	vshrl.u32 v0, $0x3;
	s9 =	sor.u32 $0xF2, s5;
	s26 =	sadd.s32 $0x184800, s4;
	[dreg:$0xe] =	wrdreg s24  }
0x1a: {  	v2 =	vadd.s32 s10, v18;
	v14 =	vand.u32 $0x7, v0;
	s5 =	sadd.s32 $0x100, s2;
	s7 =	sadd.s32 $0x244800, s4;
	v13 =	vmul.u32 $0x30, v9;
	[dreg:$0xf] =	wrdreg s25  }
0x1b: {  	s6 =	sadd.s32 $0x200, s2;
	s4 =	simm.s32 $0xC000;
	v9 =	vadd.s32 s16, v18;
	[dreg:$0x10] =	wrdreg s26;
	v10 =	vadd.s32 s20, v18;
	v11 =	vadd.s32 s19, v18  }
0x1c: {  	s16 =	simm.s32 $0x2800;
	[dreg:$0x11] =	wrdreg s7;
	s7 =	smax.u32 s22, $0x1;
	v16 =	vor.u32 v14, v13;
	v13 =	vand.u32 $0x7, v18;
	v14 =	vor.u32 $0x8, v18  }
0x1d: {  	v12 =	vadd.s32 s21, v18;
	s19 =	simm.s32 $0x4000;
	s20 =	simm.s32 $0x4800;
	s21 =	simm.s32 $0x5000;
	v19 =	vperm.xlane v16, v13;
	v20 =	vperm.xlane v16, v14  }
0x1e: {  	v3 =	vadd.s32 s11, v18;
	v17 =	vadd.s32 s8, v18;
	s22 =	simm.s32 $0x5800;
	s24 =	simm.s32 $0x6800;
	s25 =	simm.s32 $0x7000;
	v16 =	vadd.s32 s23, v18  }
0x1f: {  	s26 =	simm.s32 $0x7800;
	v18 =	vadd.s32 s9, v18;
	s9 =	simm.s32 $0x4;
	s23 =	simm.s32 $0x6000;
	v19 =	vadd.s32 v15, v19;
	v20 =	vadd.s32 v15, v20  }
.LBB2_1:
0x20: {  	[tilespmem:$0x18000] =	vst v0  }
0x21: {  	[tilespmem:$0x18010] =	vst v1  }
0x22: {  	[tilespmem:$0x18020] =	vst v2  }
0x23: {  	[tilespmem:$0x18030] =	vst v3  }
0x24: {  	[tilespmem:$0x18040] =	vst v4  }
0x25: {  	[tilespmem:$0x18050] =	vst v5  }
0x26: {  	[tilespmem:$0x18060] =	vst v6  }
0x27: {  	[tilespmem:$0x18070] =	vst v7  }
0x28: {  	[tilespmem:$0x18080] =	vst v8  }
0x29: {  	[tilespmem:$0x18090] =	vst v9  }
0x2a: {  	[tilespmem:$0x180A0] =	vst v10  }
0x2b: {  	[tilespmem:$0x180B0] =	vst v11  }
0x2c: {  	[tilespmem:$0x180C0] =	vst v12  }
0x2d: {  	[tilespmem:$0x180D0] =	vst v16  }
0x2e: {  	[tilespmem:$0x180E0] =	vst v17  }
0x2f: {  	[tilespmem:$0x180F0] =	vst v18  }
0x30: {  	[tilespmem:s3], [sflag:$0x1] =	stream.indirect_vreg.gather [hbm4b:s2+s3], $0x80, v19, vm0, $0xb8;
	[tilespmem:$0x18100] =	vst v63  }
0x31: {  	_ = 	snop  }
0x32: {  	[tilespmem:s12], [sflag:$0x1] =	stream.indirect_vreg.gather [hbm4b:s5+s3], $0x80, v19, vm0, $0xb8;
	[tilespmem:$0x18100] =	vst v63  }
0x33: {  	_ = 	snop  }
0x34: {  	[tilespmem:s13], [sflag:$0x1] =	stream.indirect_vreg.gather [hbm4b:s6+s3], $0x80, v19, vm0, $0xb8;
	[tilespmem:$0x18100] =	vst v63  }
0x35: {  	_ = 	snop  }
0x36: {  	[tilespmem:s14], [sflag:$0x1] =	stream.indirect_vreg.gather [hbm4b:s2+s3], $0x80, v20, vm0, $0xb8;
	[tilespmem:$0x18100] =	vst v63  }
0x37: {  	_ = 	snop  }
0x38: {  	[tilespmem:s15], [sflag:$0x1] =	stream.indirect_vreg.gather [hbm4b:s5+s3], $0x80, v20, vm0, $0xb8;
	[tilespmem:$0x18100] =	vst v63  }
0x39: {  	_ = 	snop  }
0x3a: {  	[tilespmem:s16], [sflag:$0x1] =	stream.indirect_vreg.gather [hbm4b:s6+s3], $0x80, v20, vm0, $0xb8;
	[tilespmem:$0x18100] =	vst v63  }
0x3b: {  	v21 =	vld [tilespmem:$0x18010];
	_ =	sdelay $0x4  }
0x3c: {  	v22 =	vshrl.u32 v21, $0x3  }
0x3d: {  	v22 =	vmul.u32 $0x30, v22  }
0x3e: {  	v21 =	vand.u32 $0x7, v21  }
0x3f: {  	v21 =	vor.u32 v21, v22  }
0x40: {  	v22 =	vperm.xlane v21, v13;
	_ =	sdelay $0x1  }
0x41: {  	v22 =	vadd.s32 v15, v22;
	_ =	sdelay $0x3  }
0x42: {  	v21 =	vperm.xlane v21, v14  }
0x43: {  	[tilespmem:s17], [sflag:$0x1] =	stream.indirect_vreg.gather [hbm4b:s2+s3], $0x80, v22, vm0, $0xb8;
	[tilespmem:$0x18100] =	vst v63  }
0x44: {  	v21 =	vadd.s32 v15, v21  }
0x45: {  	[tilespmem:s18], [sflag:$0x1] =	stream.indirect_vreg.gather [hbm4b:s5+s3], $0x80, v22, vm0, $0xb8;
	[tilespmem:$0x18100] =	vst v63  }
0x46: {  	_ = 	snop  }
0x47: {  	[tilespmem:s19], [sflag:$0x1] =	stream.indirect_vreg.gather [hbm4b:s6+s3], $0x80, v22, vm0, $0xb8;
	[tilespmem:$0x18100] =	vst v63  }
0x48: {  	_ = 	snop  }
0x49: {  	[tilespmem:s20], [sflag:$0x1] =	stream.indirect_vreg.gather [hbm4b:s2+s3], $0x80, v21, vm0, $0xb8;
	[tilespmem:$0x18100] =	vst v63  }
0x4a: {  	_ = 	snop  }
0x4b: {  	[tilespmem:s21], [sflag:$0x1] =	stream.indirect_vreg.gather [hbm4b:s5+s3], $0x80, v21, vm0, $0xb8;
	[tilespmem:$0x18100] =	vst v63  }
0x4c: {  	_ = 	snop  }
0x4d: {  	[tilespmem:s22], [sflag:$0x1] =	stream.indirect_vreg.gather [hbm4b:s6+s3], $0x80, v21, vm0, $0xb8;
	[tilespmem:$0x18100] =	vst v63  }
0x4e: {  	v21 =	vld [tilespmem:$0x18020];
	_ =	sdelay $0x4  }
0x4f: {  	v22 =	vshrl.u32 v21, $0x3  }
0x50: {  	v22 =	vmul.u32 $0x30, v22  }
0x51: {  	v21 =	vand.u32 $0x7, v21  }
0x52: {  	v21 =	vor.u32 v21, v22  }
0x53: {  	v22 =	vperm.xlane v21, v13;
	_ =	sdelay $0x1  }
0x54: {  	v22 =	vadd.s32 v15, v22;
	_ =	sdelay $0x3  }
0x55: {  	v21 =	vperm.xlane v21, v14  }
0x56: {  	[tilespmem:s23], [sflag:$0x1] =	stream.indirect_vreg.gather [hbm4b:s2+s3], $0x80, v22, vm0, $0xb8;
	[tilespmem:$0x18100] =	vst v63  }
0x57: {  	v21 =	vadd.s32 v15, v21  }
0x58: {  	[tilespmem:s24], [sflag:$0x1] =	stream.indirect_vreg.gather [hbm4b:s5+s3], $0x80, v22, vm0, $0xb8;
	[tilespmem:$0x18100] =	vst v63  }
0x59: {  	_ = 	snop  }
0x5a: {  	[tilespmem:s25], [sflag:$0x1] =	stream.indirect_vreg.gather [hbm4b:s6+s3], $0x80, v22, vm0, $0xb8;
	[tilespmem:$0x18100] =	vst v63  }
0x5b: {  	_ = 	snop  }
0x5c: {  	[tilespmem:s26], [sflag:$0x1] =	stream.indirect_vreg.gather [hbm4b:s2+s3], $0x80, v21, vm0, $0xb8;
	[tilespmem:$0x18100] =	vst v63  }
0x5d: {  	_ = 	snop  }
0x5e: {  	[tilespmem:s28], [sflag:$0x1] =	stream.indirect_vreg.gather [hbm4b:s5+s3], $0x80, v21, vm0, $0xb8;
	[tilespmem:$0x18100] =	vst v63  }
0x5f: {  	_ = 	snop  }
0x60: {  	[tilespmem:s29], [sflag:$0x1] =	stream.indirect_vreg.gather [hbm4b:s6+s3], $0x80, v21, vm0, $0xb8;
	[tilespmem:$0x18100] =	vst v63  }
0x61: {  	v21 =	vld [tilespmem:$0x18030];
	_ =	sdelay $0x4  }
0x62: {  	v22 =	vshrl.u32 v21, $0x3  }
0x63: {  	v22 =	vmul.u32 $0x30, v22  }
0x64: {  	v21 =	vand.u32 $0x7, v21  }
0x65: {  	v21 =	vor.u32 v21, v22  }
0x66: {  	v22 =	vperm.xlane v21, v13;
	_ =	sdelay $0x1  }
0x67: {  	v22 =	vadd.s32 v15, v22;
	_ =	sdelay $0x3  }
0x68: {  	v21 =	vperm.xlane v21, v14  }
0x69: {  	[tilespmem:s30], [sflag:$0x1] =	stream.indirect_vreg.gather [hbm4b:s2+s3], $0x80, v22, vm0, $0xb8;
	[tilespmem:$0x18100] =	vst v63  }
0x6a: {  	s1 =	simm.s32 $0x9800;
	v21 =	vadd.s32 v15, v21  }
0x6b: {  	[tilespmem:s1], [sflag:$0x1] =	stream.indirect_vreg.gather [hbm4b:s5+s3], $0x80, v22, vm0, $0xb8;
	[tilespmem:$0x18100] =	vst v63  }
0x6c: {  	_ = 	snop  }
0x6d: {  	[tilespmem:s31], [sflag:$0x1] =	stream.indirect_vreg.gather [hbm4b:s6+s3], $0x80, v22, vm0, $0xb8;
	[tilespmem:$0x18100] =	vst v63  }
0x6e: {  	s8 =	simm.s32 $0xA800  }
0x6f: {  	[tilespmem:s8], [sflag:$0x1] =	stream.indirect_vreg.gather [hbm4b:s2+s3], $0x80, v21, vm0, $0xb8;
	[tilespmem:$0x18100] =	vst v63  }
0x70: {  	s10 =	simm.s32 $0xB000  }
0x71: {  	[tilespmem:s10], [sflag:$0x1] =	stream.indirect_vreg.gather [hbm4b:s5+s3], $0x80, v21, vm0, $0xb8;
	[tilespmem:$0x18100] =	vst v63  }
0x72: {  	s11 =	simm.s32 $0xB800  }
0x73: {  	[tilespmem:s11], [sflag:$0x1] =	stream.indirect_vreg.gather [hbm4b:s6+s3], $0x80, v21, vm0, $0xb8;
	[tilespmem:$0x18100] =	vst v63  }
0x74: {  	v21 =	vld [tilespmem:$0x18040];
	_ =	sdelay $0x4  }
0x75: {  	v22 =	vshrl.u32 v21, $0x3  }
0x76: {  	v22 =	vmul.u32 $0x30, v22  }
0x77: {  	v21 =	vand.u32 $0x7, v21  }
0x78: {  	v21 =	vor.u32 v21, v22  }
0x79: {  	v22 =	vperm.xlane v21, v13;
	_ =	sdelay $0x1  }
0x7a: {  	v22 =	vadd.s32 v15, v22;
	_ =	sdelay $0x3  }
0x7b: {  	v21 =	vperm.xlane v21, v14  }
0x7c: {  	[tilespmem:s4], [sflag:$0x2] =	stream.indirect_vreg.gather [hbm4b:s2+s3], $0x80, v22, vm0, $0xb8;
	[tilespmem:$0x18100] =	vst v63  }
0x7d: {  	s10 =	simm.s32 $0xC800;
	v21 =	vadd.s32 v15, v21  }
0x7e: {  	[tilespmem:s10], [sflag:$0x2] =	stream.indirect_vreg.gather [hbm4b:s5+s3], $0x80, v22, vm0, $0xb8;
	[tilespmem:$0x18100] =	vst v63  }
0x7f: {  	s11 =	simm.s32 $0xD000  }
0x80: {  	[tilespmem:s11], [sflag:$0x2] =	stream.indirect_vreg.gather [hbm4b:s6+s3], $0x80, v22, vm0, $0xb8;
	[tilespmem:$0x18100] =	vst v63  }
0x81: {  	s10 =	simm.s32 $0xD800  }
0x82: {  	[tilespmem:s10], [sflag:$0x2] =	stream.indirect_vreg.gather [hbm4b:s2+s3], $0x80, v21, vm0, $0xb8;
	[tilespmem:$0x18100] =	vst v63  }
0x83: {  	s11 =	simm.s32 $0xE000  }
0x84: {  	[tilespmem:s11], [sflag:$0x2] =	stream.indirect_vreg.gather [hbm4b:s5+s3], $0x80, v21, vm0, $0xb8;
	[tilespmem:$0x18100] =	vst v63  }
0x85: {  	s10 =	simm.s32 $0xE800  }
0x86: {  	[tilespmem:s10], [sflag:$0x2] =	stream.indirect_vreg.gather [hbm4b:s6+s3], $0x80, v21, vm0, $0xb8;
	[tilespmem:$0x18100] =	vst v63  }
0x87: {  	v21 =	vld [tilespmem:$0x18050];
	_ =	sdelay $0x4  }
0x88: {  	v22 =	vshrl.u32 v21, $0x3  }
0x89: {  	v22 =	vmul.u32 $0x30, v22  }
0x8a: {  	v21 =	vand.u32 $0x7, v21  }
0x8b: {  	v21 =	vor.u32 v21, v22  }
0x8c: {  	v22 =	vperm.xlane v21, v13;
	_ =	sdelay $0x1  }
0x8d: {  	v22 =	vadd.s32 v15, v22;
	_ =	sdelay $0x3  }
0x8e: {  	s11 =	simm.s32 $0xF000;
	v21 =	vperm.xlane v21, v14  }
0x8f: {  	[tilespmem:s11], [sflag:$0x2] =	stream.indirect_vreg.gather [hbm4b:s2+s3], $0x80, v22, vm0, $0xb8;
	[tilespmem:$0x18100] =	vst v63  }
0x90: {  	s10 =	simm.s32 $0xF800;
	v21 =	vadd.s32 v15, v21  }
0x91: {  	[tilespmem:s10], [sflag:$0x2] =	stream.indirect_vreg.gather [hbm4b:s5+s3], $0x80, v22, vm0, $0xb8;
	[tilespmem:$0x18100] =	vst v63  }
0x92: {  	s11 =	simm.s32 $0x10000  }
0x93: {  	[tilespmem:s11], [sflag:$0x2] =	stream.indirect_vreg.gather [hbm4b:s6+s3], $0x80, v22, vm0, $0xb8;
	[tilespmem:$0x18100] =	vst v63  }
0x94: {  	s10 =	simm.s32 $0x10800  }
0x95: {  	[tilespmem:s10], [sflag:$0x2] =	stream.indirect_vreg.gather [hbm4b:s2+s3], $0x80, v21, vm0, $0xb8;
	[tilespmem:$0x18100] =	vst v63  }
0x96: {  	s11 =	simm.s32 $0x11000  }
0x97: {  	[tilespmem:s11], [sflag:$0x2] =	stream.indirect_vreg.gather [hbm4b:s5+s3], $0x80, v21, vm0, $0xb8;
	[tilespmem:$0x18100] =	vst v63  }
0x98: {  	s10 =	simm.s32 $0x11800  }
0x99: {  	[tilespmem:s10], [sflag:$0x2] =	stream.indirect_vreg.gather [hbm4b:s6+s3], $0x80, v21, vm0, $0xb8;
	[tilespmem:$0x18100] =	vst v63  }
0x9a: {  	v21 =	vld [tilespmem:$0x18060];
	_ =	sdelay $0x4  }
0x9b: {  	v22 =	vshrl.u32 v21, $0x3  }
0x9c: {  	v22 =	vmul.u32 $0x30, v22  }
0x9d: {  	v21 =	vand.u32 $0x7, v21  }
0x9e: {  	v21 =	vor.u32 v21, v22  }
0x9f: {  	v22 =	vperm.xlane v21, v13;
	_ =	sdelay $0x1  }
0xa0: {  	v22 =	vadd.s32 v15, v22;
	_ =	sdelay $0x3  }
0xa1: {  	s11 =	simm.s32 $0x12000;
	v21 =	vperm.xlane v21, v14  }
0xa2: {  	[tilespmem:s11], [sflag:$0x2] =	stream.indirect_vreg.gather [hbm4b:s2+s3], $0x80, v22, vm0, $0xb8;
	[tilespmem:$0x18100] =	vst v63  }
0xa3: {  	s10 =	simm.s32 $0x12800;
	v21 =	vadd.s32 v15, v21  }
0xa4: {  	[tilespmem:s10], [sflag:$0x2] =	stream.indirect_vreg.gather [hbm4b:s5+s3], $0x80, v22, vm0, $0xb8;
	[tilespmem:$0x18100] =	vst v63  }
0xa5: {  	s11 =	simm.s32 $0x13000  }
0xa6: {  	[tilespmem:s11], [sflag:$0x2] =	stream.indirect_vreg.gather [hbm4b:s6+s3], $0x80, v22, vm0, $0xb8;
	[tilespmem:$0x18100] =	vst v63  }
0xa7: {  	s10 =	simm.s32 $0x13800  }
0xa8: {  	[tilespmem:s10], [sflag:$0x2] =	stream.indirect_vreg.gather [hbm4b:s2+s3], $0x80, v21, vm0, $0xb8;
	[tilespmem:$0x18100] =	vst v63  }
0xa9: {  	s11 =	simm.s32 $0x14000  }
0xaa: {  	[tilespmem:s11], [sflag:$0x2] =	stream.indirect_vreg.gather [hbm4b:s5+s3], $0x80, v21, vm0, $0xb8;
	[tilespmem:$0x18100] =	vst v63  }
0xab: {  	s10 =	simm.s32 $0x14800  }
0xac: {  	[tilespmem:s10], [sflag:$0x2] =	stream.indirect_vreg.gather [hbm4b:s6+s3], $0x80, v21, vm0, $0xb8;
	[tilespmem:$0x18100] =	vst v63  }
0xad: {  	v21 =	vld [tilespmem:$0x18070];
	_ =	sdelay $0x4  }
0xae: {  	v22 =	vshrl.u32 v21, $0x3  }
0xaf: {  	v22 =	vmul.u32 $0x30, v22  }
0xb0: {  	v21 =	vand.u32 $0x7, v21  }
0xb1: {  	v21 =	vor.u32 v21, v22  }
0xb2: {  	v22 =	vperm.xlane v21, v13;
	_ =	sdelay $0x1  }
0xb3: {  	v22 =	vadd.s32 v15, v22;
	_ =	sdelay $0x3  }
0xb4: {  	s11 =	simm.s32 $0x15000;
	v21 =	vperm.xlane v21, v14  }
0xb5: {  	[tilespmem:s11], [sflag:$0x2] =	stream.indirect_vreg.gather [hbm4b:s2+s3], $0x80, v22, vm0, $0xb8;
	[tilespmem:$0x18100] =	vst v63  }
0xb6: {  	s10 =	simm.s32 $0x15800;
	v21 =	vadd.s32 v15, v21  }
0xb7: {  	[tilespmem:s10], [sflag:$0x2] =	stream.indirect_vreg.gather [hbm4b:s5+s3], $0x80, v22, vm0, $0xb8;
	[tilespmem:$0x18100] =	vst v63  }
0xb8: {  	s11 =	simm.s32 $0x16000  }
0xb9: {  	[tilespmem:s11], [sflag:$0x2] =	stream.indirect_vreg.gather [hbm4b:s6+s3], $0x80, v22, vm0, $0xb8;
	[tilespmem:$0x18100] =	vst v63  }
0xba: {  	s10 =	simm.s32 $0x16800  }
0xbb: {  	[tilespmem:s10], [sflag:$0x2] =	stream.indirect_vreg.gather [hbm4b:s2+s3], $0x80, v21, vm0, $0xb8;
	[tilespmem:$0x18100] =	vst v63  }
0xbc: {  	s11 =	simm.s32 $0x17000  }
0xbd: {  	[tilespmem:s11], [sflag:$0x2] =	stream.indirect_vreg.gather [hbm4b:s5+s3], $0x80, v21, vm0, $0xb8;
	[tilespmem:$0x18100] =	vst v63  }
0xbe: {  	s1 =	simm.s32 $0x1;
	s10 =	simm.s32 $0x17800  }
0xbf: {  	[tilespmem:s10], [sflag:$0x2] =	stream.indirect_vreg.gather [hbm4b:s6+s3], $0x80, v21, vm0, $0xb8;
	[tilespmem:$0x18100] =	vst v63  }
0xc0: {  	_ =	swait.ge [sflag:s1], $0xC000  }
0xc1: {  	[sflag:s1] =	ssyncset.done $0x0  }
0xc2: {  	s11 =	rddreg [dreg:$0x12];
	[sflag:s1] =	ssyncadd.s32 $0xFFFF4000  }
0xc3: {  	[hbm4b:s11+s3] =	stream.linear.scatter [tilespmem:s3], [sflag:$0x3], $0xC000, $0x38;
	[tilespmem:$0x18100] =	vst v63  }
0xc4: {  	s10 =	rddreg [dreg:$0x3]  }
0xc5: {  	[hbm4b:s10+s3] =	stream.linear.scatter [tilespmem:s3], [sflag:$0x3], $0xC000, $0x38;
	[tilespmem:$0x18100] =	vst v63  }
0xc6: {  	s11 =	rddreg [dreg:$0x4]  }
0xc7: {  	[hbm4b:s11+s3] =	stream.linear.scatter [tilespmem:s3], [sflag:$0x3], $0xC000, $0x38;
	[tilespmem:$0x18100] =	vst v63  }
0xc8: {  	s10 =	rddreg [dreg:$0x5]  }
0xc9: {  	[hbm4b:s10+s3] =	stream.linear.scatter [tilespmem:s3], [sflag:$0x3], $0xC000, $0x38;
	[tilespmem:$0x18100] =	vst v63  }
0xca: {  	_ =	swait.ge [sflag:s0], $0xC000  }
0xcb: {  	[sflag:s0] =	ssyncset.done $0x0  }
0xcc: {  	[sflag:s0] =	ssyncadd.s32 $0xFFFF4000  }
0xcd: {  	_ =	swait.ge [sflag:s0], $0xC000  }
0xce: {  	[sflag:s0] =	ssyncset.done $0x0  }
0xcf: {  	[sflag:s0] =	ssyncadd.s32 $0xFFFF4000  }
0xd0: {  	_ =	swait.ge [sflag:s0], $0xC000  }
0xd1: {  	[sflag:s0] =	ssyncset.done $0x0  }
0xd2: {  	[sflag:s0] =	ssyncadd.s32 $0xFFFF4000  }
0xd3: {  	_ =	swait.ge [sflag:s0], $0xC000  }
0xd4: {  	[sflag:s0] =	ssyncset.done $0x0  }
0xd5: {  	[sflag:s0] =	ssyncadd.s32 $0xFFFF4000  }
0xd6: {  	v21 =	vld [tilespmem:$0x18080];
	_ =	sdelay $0x4  }
0xd7: {  	v22 =	vshrl.u32 v21, $0x3  }
0xd8: {  	v22 =	vmul.u32 $0x30, v22  }
0xd9: {  	v21 =	vand.u32 $0x7, v21  }
0xda: {  	v21 =	vor.u32 v21, v22  }
0xdb: {  	v22 =	vperm.xlane v21, v13;
	_ =	sdelay $0x1  }
0xdc: {  	v22 =	vadd.s32 v15, v22;
	_ =	sdelay $0x3  }
0xdd: {  	v21 =	vperm.xlane v21, v14  }
0xde: {  	[tilespmem:s3], [sflag:$0x1] =	stream.indirect_vreg.gather [hbm4b:s2+s3], $0x80, v22, vm0, $0xb8;
	[tilespmem:$0x18100] =	vst v63  }
0xdf: {  	v21 =	vadd.s32 v15, v21  }
0xe0: {  	[tilespmem:s12], [sflag:$0x1] =	stream.indirect_vreg.gather [hbm4b:s5+s3], $0x80, v22, vm0, $0xb8;
	[tilespmem:$0x18100] =	vst v63  }
0xe1: {  	_ = 	snop  }
0xe2: {  	[tilespmem:s13], [sflag:$0x1] =	stream.indirect_vreg.gather [hbm4b:s6+s3], $0x80, v22, vm0, $0xb8;
	[tilespmem:$0x18100] =	vst v63  }
0xe3: {  	_ = 	snop  }
0xe4: {  	[tilespmem:s14], [sflag:$0x1] =	stream.indirect_vreg.gather [hbm4b:s2+s3], $0x80, v21, vm0, $0xb8;
	[tilespmem:$0x18100] =	vst v63  }
0xe5: {  	_ = 	snop  }
0xe6: {  	[tilespmem:s15], [sflag:$0x1] =	stream.indirect_vreg.gather [hbm4b:s5+s3], $0x80, v21, vm0, $0xb8;
	[tilespmem:$0x18100] =	vst v63  }
0xe7: {  	_ = 	snop  }
0xe8: {  	[tilespmem:s16], [sflag:$0x1] =	stream.indirect_vreg.gather [hbm4b:s6+s3], $0x80, v21, vm0, $0xb8;
	[tilespmem:$0x18100] =	vst v63  }
0xe9: {  	v21 =	vld [tilespmem:$0x18090];
	_ =	sdelay $0x4  }
0xea: {  	v22 =	vshrl.u32 v21, $0x3  }
0xeb: {  	v22 =	vmul.u32 $0x30, v22  }
0xec: {  	v21 =	vand.u32 $0x7, v21  }
0xed: {  	v21 =	vor.u32 v21, v22  }
0xee: {  	v22 =	vperm.xlane v21, v13;
	_ =	sdelay $0x1  }
0xef: {  	v22 =	vadd.s32 v15, v22;
	_ =	sdelay $0x3  }
0xf0: {  	v21 =	vperm.xlane v21, v14  }
0xf1: {  	[tilespmem:s17], [sflag:$0x1] =	stream.indirect_vreg.gather [hbm4b:s2+s3], $0x80, v22, vm0, $0xb8;
	[tilespmem:$0x18100] =	vst v63  }
0xf2: {  	v21 =	vadd.s32 v15, v21  }
0xf3: {  	[tilespmem:s18], [sflag:$0x1] =	stream.indirect_vreg.gather [hbm4b:s5+s3], $0x80, v22, vm0, $0xb8;
	[tilespmem:$0x18100] =	vst v63  }
0xf4: {  	_ = 	snop  }
0xf5: {  	[tilespmem:s19], [sflag:$0x1] =	stream.indirect_vreg.gather [hbm4b:s6+s3], $0x80, v22, vm0, $0xb8;
	[tilespmem:$0x18100] =	vst v63  }
0xf6: {  	_ = 	snop  }
0xf7: {  	[tilespmem:s20], [sflag:$0x1] =	stream.indirect_vreg.gather [hbm4b:s2+s3], $0x80, v21, vm0, $0xb8;
	[tilespmem:$0x18100] =	vst v63  }
0xf8: {  	_ = 	snop  }
0xf9: {  	[tilespmem:s21], [sflag:$0x1] =	stream.indirect_vreg.gather [hbm4b:s5+s3], $0x80, v21, vm0, $0xb8;
	[tilespmem:$0x18100] =	vst v63  }
0xfa: {  	_ = 	snop  }
0xfb: {  	[tilespmem:s22], [sflag:$0x1] =	stream.indirect_vreg.gather [hbm4b:s6+s3], $0x80, v21, vm0, $0xb8;
	[tilespmem:$0x18100] =	vst v63  }
0xfc: {  	v21 =	vld [tilespmem:$0x180A0];
	_ =	sdelay $0x4  }
0xfd: {  	v22 =	vshrl.u32 v21, $0x3  }
0xfe: {  	v22 =	vmul.u32 $0x30, v22  }
0xff: {  	v21 =	vand.u32 $0x7, v21  }
0x100: {  	v21 =	vor.u32 v21, v22  }
0x101: {  	v22 =	vperm.xlane v21, v13;
	_ =	sdelay $0x1  }
0x102: {  	v22 =	vadd.s32 v15, v22;
	_ =	sdelay $0x3  }
0x103: {  	v21 =	vperm.xlane v21, v14  }
0x104: {  	[tilespmem:s23], [sflag:$0x1] =	stream.indirect_vreg.gather [hbm4b:s2+s3], $0x80, v22, vm0, $0xb8;
	[tilespmem:$0x18100] =	vst v63  }
0x105: {  	v21 =	vadd.s32 v15, v21  }
0x106: {  	[tilespmem:s24], [sflag:$0x1] =	stream.indirect_vreg.gather [hbm4b:s5+s3], $0x80, v22, vm0, $0xb8;
	[tilespmem:$0x18100] =	vst v63  }
0x107: {  	_ = 	snop  }
0x108: {  	[tilespmem:s25], [sflag:$0x1] =	stream.indirect_vreg.gather [hbm4b:s6+s3], $0x80, v22, vm0, $0xb8;
	[tilespmem:$0x18100] =	vst v63  }
0x109: {  	_ = 	snop  }
0x10a: {  	[tilespmem:s26], [sflag:$0x1] =	stream.indirect_vreg.gather [hbm4b:s2+s3], $0x80, v21, vm0, $0xb8;
	[tilespmem:$0x18100] =	vst v63  }
0x10b: {  	_ = 	snop  }
0x10c: {  	[tilespmem:s28], [sflag:$0x1] =	stream.indirect_vreg.gather [hbm4b:s5+s3], $0x80, v21, vm0, $0xb8;
	[tilespmem:$0x18100] =	vst v63  }
0x10d: {  	_ = 	snop  }
0x10e: {  	[tilespmem:s29], [sflag:$0x1] =	stream.indirect_vreg.gather [hbm4b:s6+s3], $0x80, v21, vm0, $0xb8;
	[tilespmem:$0x18100] =	vst v63  }
0x10f: {  	v21 =	vld [tilespmem:$0x180B0];
	_ =	sdelay $0x4  }
0x110: {  	v22 =	vshrl.u32 v21, $0x3  }
0x111: {  	v22 =	vmul.u32 $0x30, v22  }
0x112: {  	v21 =	vand.u32 $0x7, v21  }
0x113: {  	v21 =	vor.u32 v21, v22  }
0x114: {  	v22 =	vperm.xlane v21, v13;
	_ =	sdelay $0x1  }
0x115: {  	v22 =	vadd.s32 v15, v22;
	_ =	sdelay $0x3  }
0x116: {  	v21 =	vperm.xlane v21, v14  }
0x117: {  	[tilespmem:s30], [sflag:$0x1] =	stream.indirect_vreg.gather [hbm4b:s2+s3], $0x80, v22, vm0, $0xb8;
	[tilespmem:$0x18100] =	vst v63  }
0x118: {  	s11 =	simm.s32 $0x9800;
	v21 =	vadd.s32 v15, v21  }
0x119: {  	[tilespmem:s11], [sflag:$0x1] =	stream.indirect_vreg.gather [hbm4b:s5+s3], $0x80, v22, vm0, $0xb8;
	[tilespmem:$0x18100] =	vst v63  }
0x11a: {  	_ = 	snop  }
0x11b: {  	[tilespmem:s31], [sflag:$0x1] =	stream.indirect_vreg.gather [hbm4b:s6+s3], $0x80, v22, vm0, $0xb8;
	[tilespmem:$0x18100] =	vst v63  }
0x11c: {  	_ = 	snop  }
0x11d: {  	[tilespmem:s8], [sflag:$0x1] =	stream.indirect_vreg.gather [hbm4b:s2+s3], $0x80, v21, vm0, $0xb8;
	[tilespmem:$0x18100] =	vst v63  }
0x11e: {  	s11 =	simm.s32 $0xB000  }
0x11f: {  	[tilespmem:s11], [sflag:$0x1] =	stream.indirect_vreg.gather [hbm4b:s5+s3], $0x80, v21, vm0, $0xb8;
	[tilespmem:$0x18100] =	vst v63  }
0x120: {  	s10 =	simm.s32 $0xB800;
	s8 =	simm.s32 $0x2  }
0x121: {  	[tilespmem:s10], [sflag:$0x1] =	stream.indirect_vreg.gather [hbm4b:s6+s3], $0x80, v21, vm0, $0xb8;
	[tilespmem:$0x18100] =	vst v63  }
0x122: {  	_ =	swait.ge [sflag:s8], $0xC000  }
0x123: {  	[sflag:s8] =	ssyncset.done $0x0  }
0x124: {  	s10 =	rddreg [dreg:$0x6];
	[sflag:s8] =	ssyncadd.s32 $0xFFFF4000  }
0x125: {  	[hbm4b:s10+s3] =	stream.linear.scatter [tilespmem:s4], [sflag:$0x4], $0xC000, $0x38;
	[tilespmem:$0x18100] =	vst v63  }
0x126: {  	s11 =	rddreg [dreg:$0x7]  }
0x127: {  	[hbm4b:s11+s3] =	stream.linear.scatter [tilespmem:s4], [sflag:$0x4], $0xC000, $0x38;
	[tilespmem:$0x18100] =	vst v63  }
0x128: {  	s10 =	rddreg [dreg:$0x8]  }
0x129: {  	[hbm4b:s10+s3] =	stream.linear.scatter [tilespmem:s4], [sflag:$0x4], $0xC000, $0x38;
	[tilespmem:$0x18100] =	vst v63  }
0x12a: {  	s11 =	rddreg [dreg:$0x9]  }
0x12b: {  	[hbm4b:s11+s3] =	stream.linear.scatter [tilespmem:s4], [sflag:$0x4], $0xC000, $0x38;
	[tilespmem:$0x18100] =	vst v63  }
0x12c: {  	_ =	swait.ge [sflag:s9], $0xC000  }
0x12d: {  	[sflag:s9] =	ssyncset.done $0x0  }
0x12e: {  	[sflag:s9] =	ssyncadd.s32 $0xFFFF4000  }
0x12f: {  	_ =	swait.ge [sflag:s9], $0xC000  }
0x130: {  	[sflag:s9] =	ssyncset.done $0x0  }
0x131: {  	[sflag:s9] =	ssyncadd.s32 $0xFFFF4000  }
0x132: {  	_ =	swait.ge [sflag:s9], $0xC000  }
0x133: {  	[sflag:s9] =	ssyncset.done $0x0  }
0x134: {  	[sflag:s9] =	ssyncadd.s32 $0xFFFF4000  }
0x135: {  	_ =	swait.ge [sflag:s9], $0xC000  }
0x136: {  	[sflag:s9] =	ssyncset.done $0x0  }
0x137: {  	[sflag:s9] =	ssyncadd.s32 $0xFFFF4000  }
0x138: {  	v21 =	vld [tilespmem:$0x180C0];
	_ =	sdelay $0x4  }
0x139: {  	v22 =	vshrl.u32 v21, $0x3  }
0x13a: {  	v22 =	vmul.u32 $0x30, v22  }
0x13b: {  	v21 =	vand.u32 $0x7, v21  }
0x13c: {  	v21 =	vor.u32 v21, v22  }
0x13d: {  	v22 =	vperm.xlane v21, v13;
	_ =	sdelay $0x1  }
0x13e: {  	v22 =	vadd.s32 v15, v22;
	_ =	sdelay $0x3  }
0x13f: {  	v21 =	vperm.xlane v21, v14  }
0x140: {  	[tilespmem:s4], [sflag:$0x2] =	stream.indirect_vreg.gather [hbm4b:s2+s3], $0x80, v22, vm0, $0xb8;
	[tilespmem:$0x18100] =	vst v63  }
0x141: {  	s11 =	simm.s32 $0xC800;
	v21 =	vadd.s32 v15, v21  }
0x142: {  	[tilespmem:s11], [sflag:$0x2] =	stream.indirect_vreg.gather [hbm4b:s5+s3], $0x80, v22, vm0, $0xb8;
	[tilespmem:$0x18100] =	vst v63  }
0x143: {  	s11 =	simm.s32 $0xD000  }
0x144: {  	[tilespmem:s11], [sflag:$0x2] =	stream.indirect_vreg.gather [hbm4b:s6+s3], $0x80, v22, vm0, $0xb8;
	[tilespmem:$0x18100] =	vst v63  }
0x145: {  	s11 =	simm.s32 $0xD800  }
0x146: {  	[tilespmem:s11], [sflag:$0x2] =	stream.indirect_vreg.gather [hbm4b:s2+s3], $0x80, v21, vm0, $0xb8;
	[tilespmem:$0x18100] =	vst v63  }
0x147: {  	s11 =	simm.s32 $0xE000  }
0x148: {  	[tilespmem:s11], [sflag:$0x2] =	stream.indirect_vreg.gather [hbm4b:s5+s3], $0x80, v21, vm0, $0xb8;
	[tilespmem:$0x18100] =	vst v63  }
0x149: {  	s11 =	simm.s32 $0xE800  }
0x14a: {  	[tilespmem:s11], [sflag:$0x2] =	stream.indirect_vreg.gather [hbm4b:s6+s3], $0x80, v21, vm0, $0xb8;
	[tilespmem:$0x18100] =	vst v63  }
0x14b: {  	v21 =	vld [tilespmem:$0x180D0];
	_ =	sdelay $0x4  }
0x14c: {  	v22 =	vshrl.u32 v21, $0x3  }
0x14d: {  	v22 =	vmul.u32 $0x30, v22  }
0x14e: {  	v21 =	vand.u32 $0x7, v21  }
0x14f: {  	v21 =	vor.u32 v21, v22  }
0x150: {  	v22 =	vperm.xlane v21, v13;
	_ =	sdelay $0x1  }
0x151: {  	v22 =	vadd.s32 v15, v22;
	_ =	sdelay $0x3  }
0x152: {  	s11 =	simm.s32 $0xF000;
	v21 =	vperm.xlane v21, v14  }
0x153: {  	[tilespmem:s11], [sflag:$0x2] =	stream.indirect_vreg.gather [hbm4b:s2+s3], $0x80, v22, vm0, $0xb8;
	[tilespmem:$0x18100] =	vst v63  }
0x154: {  	v21 =	vadd.s32 v15, v21;
	s11 =	simm.s32 $0xF800  }
0x155: {  	[tilespmem:s11], [sflag:$0x2] =	stream.indirect_vreg.gather [hbm4b:s5+s3], $0x80, v22, vm0, $0xb8;
	[tilespmem:$0x18100] =	vst v63  }
0x156: {  	s11 =	simm.s32 $0x10000  }
0x157: {  	[tilespmem:s11], [sflag:$0x2] =	stream.indirect_vreg.gather [hbm4b:s6+s3], $0x80, v22, vm0, $0xb8;
	[tilespmem:$0x18100] =	vst v63  }
0x158: {  	s11 =	simm.s32 $0x10800  }
0x159: {  	[tilespmem:s11], [sflag:$0x2] =	stream.indirect_vreg.gather [hbm4b:s2+s3], $0x80, v21, vm0, $0xb8;
	[tilespmem:$0x18100] =	vst v63  }
0x15a: {  	s11 =	simm.s32 $0x11000  }
0x15b: {  	[tilespmem:s11], [sflag:$0x2] =	stream.indirect_vreg.gather [hbm4b:s5+s3], $0x80, v21, vm0, $0xb8;
	[tilespmem:$0x18100] =	vst v63  }
0x15c: {  	s11 =	simm.s32 $0x11800  }
0x15d: {  	[tilespmem:s11], [sflag:$0x2] =	stream.indirect_vreg.gather [hbm4b:s6+s3], $0x80, v21, vm0, $0xb8;
	[tilespmem:$0x18100] =	vst v63  }
0x15e: {  	v21 =	vld [tilespmem:$0x180E0];
	_ =	sdelay $0x4  }
0x15f: {  	v22 =	vshrl.u32 v21, $0x3  }
0x160: {  	v22 =	vmul.u32 $0x30, v22  }
0x161: {  	v21 =	vand.u32 $0x7, v21  }
0x162: {  	v21 =	vor.u32 v21, v22  }
0x163: {  	v22 =	vperm.xlane v21, v13;
	_ =	sdelay $0x1  }
0x164: {  	v22 =	vadd.s32 v15, v22;
	_ =	sdelay $0x3  }
0x165: {  	s11 =	simm.s32 $0x12000;
	v21 =	vperm.xlane v21, v14  }
0x166: {  	[tilespmem:s11], [sflag:$0x2] =	stream.indirect_vreg.gather [hbm4b:s2+s3], $0x80, v22, vm0, $0xb8;
	[tilespmem:$0x18100] =	vst v63  }
0x167: {  	v21 =	vadd.s32 v15, v21;
	s11 =	simm.s32 $0x12800  }
0x168: {  	[tilespmem:s11], [sflag:$0x2] =	stream.indirect_vreg.gather [hbm4b:s5+s3], $0x80, v22, vm0, $0xb8;
	[tilespmem:$0x18100] =	vst v63  }
0x169: {  	s11 =	simm.s32 $0x13000  }
0x16a: {  	[tilespmem:s11], [sflag:$0x2] =	stream.indirect_vreg.gather [hbm4b:s6+s3], $0x80, v22, vm0, $0xb8;
	[tilespmem:$0x18100] =	vst v63  }
0x16b: {  	s11 =	simm.s32 $0x13800  }
0x16c: {  	[tilespmem:s11], [sflag:$0x2] =	stream.indirect_vreg.gather [hbm4b:s2+s3], $0x80, v21, vm0, $0xb8;
	[tilespmem:$0x18100] =	vst v63  }
0x16d: {  	s11 =	simm.s32 $0x14000  }
0x16e: {  	[tilespmem:s11], [sflag:$0x2] =	stream.indirect_vreg.gather [hbm4b:s5+s3], $0x80, v21, vm0, $0xb8;
	[tilespmem:$0x18100] =	vst v63  }
0x16f: {  	s11 =	simm.s32 $0x14800  }
0x170: {  	[tilespmem:s11], [sflag:$0x2] =	stream.indirect_vreg.gather [hbm4b:s6+s3], $0x80, v21, vm0, $0xb8;
	[tilespmem:$0x18100] =	vst v63  }
0x171: {  	v21 =	vld [tilespmem:$0x180F0];
	_ =	sdelay $0x4  }
0x172: {  	v22 =	vshrl.u32 v21, $0x3  }
0x173: {  	v22 =	vmul.u32 $0x30, v22  }
0x174: {  	v21 =	vand.u32 $0x7, v21  }
0x175: {  	v21 =	vor.u32 v21, v22  }
0x176: {  	v22 =	vperm.xlane v21, v13;
	_ =	sdelay $0x1  }
0x177: {  	v22 =	vadd.s32 v15, v22;
	_ =	sdelay $0x3  }
0x178: {  	s11 =	simm.s32 $0x15000;
	v21 =	vperm.xlane v21, v14  }
0x179: {  	[tilespmem:s11], [sflag:$0x2] =	stream.indirect_vreg.gather [hbm4b:s2+s3], $0x80, v22, vm0, $0xb8;
	[tilespmem:$0x18100] =	vst v63  }
0x17a: {  	v21 =	vadd.s32 v15, v21;
	s11 =	simm.s32 $0x15800  }
0x17b: {  	[tilespmem:s11], [sflag:$0x2] =	stream.indirect_vreg.gather [hbm4b:s5+s3], $0x80, v22, vm0, $0xb8;
	[tilespmem:$0x18100] =	vst v63  }
0x17c: {  	s11 =	simm.s32 $0x16000  }
0x17d: {  	[tilespmem:s11], [sflag:$0x2] =	stream.indirect_vreg.gather [hbm4b:s6+s3], $0x80, v22, vm0, $0xb8;
	[tilespmem:$0x18100] =	vst v63  }
0x17e: {  	s11 =	simm.s32 $0x16800  }
0x17f: {  	[tilespmem:s11], [sflag:$0x2] =	stream.indirect_vreg.gather [hbm4b:s2+s3], $0x80, v21, vm0, $0xb8;
	[tilespmem:$0x18100] =	vst v63  }
0x180: {  	s11 =	simm.s32 $0x17000  }
0x181: {  	[tilespmem:s11], [sflag:$0x2] =	stream.indirect_vreg.gather [hbm4b:s5+s3], $0x80, v21, vm0, $0xb8;
	[tilespmem:$0x18100] =	vst v63  }
0x182: {  	s11 =	simm.s32 $0x17800  }
0x183: {  	[tilespmem:s11], [sflag:$0x2] =	stream.indirect_vreg.gather [hbm4b:s6+s3], $0x80, v21, vm0, $0xb8;
	[tilespmem:$0x18100] =	vst v63  }
0x184: {  	_ =	swait.ge [sflag:s1], $0xC000  }
0x185: {  	[sflag:s1] =	ssyncset.done $0x0  }
0x186: {  	s11 =	rddreg [dreg:$0xa];
	[sflag:s1] =	ssyncadd.s32 $0xFFFF4000  }
0x187: {  	[hbm4b:s11+s3] =	stream.linear.scatter [tilespmem:s3], [sflag:$0x3], $0xC000, $0x38;
	[tilespmem:$0x18100] =	vst v63  }
0x188: {  	s1 =	rddreg [dreg:$0xb]  }
0x189: {  	[hbm4b:s1+s3] =	stream.linear.scatter [tilespmem:s3], [sflag:$0x3], $0xC000, $0x38;
	[tilespmem:$0x18100] =	vst v63  }
0x18a: {  	s10 =	rddreg [dreg:$0xc]  }
0x18b: {  	[hbm4b:s10+s3] =	stream.linear.scatter [tilespmem:s3], [sflag:$0x3], $0xC000, $0x38;
	[tilespmem:$0x18100] =	vst v63  }
0x18c: {  	s1 =	rddreg [dreg:$0xd]  }
0x18d: {  	[hbm4b:s1+s3] =	stream.linear.scatter [tilespmem:s3], [sflag:$0x3], $0xC000, $0x38;
	[tilespmem:$0x18100] =	vst v63  }
0x18e: {  	_ =	swait.ge [sflag:s8], $0xC000  }
0x18f: {  	[sflag:s8] =	ssyncset.done $0x0  }
0x190: {  	s1 =	rddreg [dreg:$0xe];
	[sflag:s8] =	ssyncadd.s32 $0xFFFF4000  }
0x191: {  	[hbm4b:s1+s3] =	stream.linear.scatter [tilespmem:s4], [sflag:$0x4], $0xC000, $0x38;
	[tilespmem:$0x18100] =	vst v63  }
0x192: {  	s8 =	rddreg [dreg:$0xf]  }
0x193: {  	[hbm4b:s8+s3] =	stream.linear.scatter [tilespmem:s4], [sflag:$0x4], $0xC000, $0x38;
	[tilespmem:$0x18100] =	vst v63  }
0x194: {  	s1 =	rddreg [dreg:$0x10]  }
0x195: {  	[hbm4b:s1+s3] =	stream.linear.scatter [tilespmem:s4], [sflag:$0x4], $0xC000, $0x38;
	[tilespmem:$0x18100] =	vst v63  }
0x196: {  	s8 =	rddreg [dreg:$0x11]  }
0x197: {  	[hbm4b:s8+s3] =	stream.linear.scatter [tilespmem:s4], [sflag:$0x4], $0xC000, $0x38;
	[tilespmem:$0x18100] =	vst v63  }
0x198: {  	_ =	swait.ge [sflag:s0], $0xC000  }
0x199: {  	[sflag:s0] =	ssyncset.done $0x0  }
0x19a: {  	[sflag:s0] =	ssyncadd.s32 $0xFFFF4000  }
0x19b: {  	_ =	swait.ge [sflag:s0], $0xC000  }
0x19c: {  	[sflag:s0] =	ssyncset.done $0x0  }
0x19d: {  	[sflag:s0] =	ssyncadd.s32 $0xFFFF4000  }
0x19e: {  	_ =	swait.ge [sflag:s0], $0xC000  }
0x19f: {  	[sflag:s0] =	ssyncset.done $0x0  }
0x1a0: {  	[sflag:s0] =	ssyncadd.s32 $0xFFFF4000  }
0x1a1: {  	_ =	swait.ge [sflag:s0], $0xC000  }
0x1a2: {  	[sflag:s0] =	ssyncset.done $0x0  }
0x1a3: {  	[sflag:s0] =	ssyncadd.s32 $0xFFFF4000  }
0x1a4: {  	_ =	swait.ge [sflag:s9], $0xC000  }
0x1a5: {  	[sflag:s9] =	ssyncset.done $0x0  }
0x1a6: {  	[sflag:s9] =	ssyncadd.s32 $0xFFFF4000  }
0x1a7: {  	_ =	swait.ge [sflag:s9], $0xC000  }
0x1a8: {  	[sflag:s9] =	ssyncset.done $0x0  }
0x1a9: {  	[sflag:s9] =	ssyncadd.s32 $0xFFFF4000  }
0x1aa: {  	p0 =	sne.s32 s7, $0x1;
	_ =	swait.ge [sflag:s9], $0xC000  }
.Ltmp0:
0x1ab: {  	[sflag:s9] =	ssyncset.done $0x0;
	(pc) =	sbr.rel @p0 .LBB2_1-.Ltmp0, $4  }
0x1ac: {  	[sflag:s9] =	ssyncadd.s32 $0xFFFF4000  }
0x1ad: {  	_ =	swait.ge [sflag:s9], $0xC000  }
0x1ae: {  	[sflag:s9] =	ssyncset.done $0x0  }
0x1af: {  	s7 =	sadd.s32 $0xFFFFFFFF, s7;
	[sflag:s9] =	ssyncadd.s32 $0xFFFF4000  }
0x1b0: {  	_ =	sfence.sel $0x180000  }
0x1b1: {  	[bflag:$0x0] =	sbarrier.arrive $0xFFFF  }
0x1b2: {  	_ =	strace $0x90000047  }
0x1b3: {  	s0 =	stileid.u32;
	[bflag:$0x2] =	sbarrier.arrive $0xFFFF  }
0x1b4: {  	p0 =	sne.s32 s0, $0x0;
	s0 =	rddreg [dreg:$0x2]  }
0x1b5: {  	s0 =	sadd.s32 @!p0 $0x100000, s0  }
0x1b6: {  	[sflag:s0] =	ssyncadd.tile.s32 @!p0 $0x1;
	_ =	shalt  }
.Lfunc_end2:
_tile_overlayer_lowered:
.L_overlay_start_2:
0x1b7: {  	(tag) =	ssettag $0x2  }
0x1b8: {  	s0 =	rddreg [dreg:$0x0];
	s2 =	stileid.u32  }
0x1b9: {  	s1 =	rddreg [dreg:$0x1];
	p0 =	sne.s32 s2, $0x0  }
0x1ba: {  	s3 =	rddreg [dreg:$0x2];
	[bflag:$0x3] =	sbarrier.arrive $0xFFFF;
	s2 =	simm.s32 @!p0 $0x1C05  }
0x1bb: {  	[timem:s3], [sflag:s2] =	dma.local @!p0 [hbm:s0], s1  }
0x1bc: {  	s0 =	simm.s32 @!p0 $0x5  }
0x1bd: {  	_ =	swait.ge @!p0 [sflag:s0], s1  }
0x1be: {  	s1 =	ssub.s32 @!p0 $0x0, s1;
	[sflag:s0] =	ssyncset.done @!p0 $0x0  }
0x1bf: {  	[sflag:s0] =	ssyncadd.s32 @!p0 s1  }
0x1c0: {  	[bflag:$0x3] =	sbarrier.arrive $0xFFFF  }
0x1c1: {  	_ =	shalt  }

</sc_bundles>
